<compile_context>
chip_gen: v7x
topology: tpu7x:2x2x1
jax: 0.10.2.dev20260603
libtpu: 0.0.44.dev20260713+nightly
codegen_flags: <defaults>
</compile_context>

<pallas_src>
import functools

import jax
import jax.numpy as jnp
from jax import lax
from jax.experimental import pallas as pl
from jax.experimental.pallas import tpu as pltpu
from jax.experimental.pallas import tpu_sc as plsc

_N = 100000
_E = 3200000
_F = 128
_H = 16
_C = 18

_NC = 2
_NS = 16
_NW = _NC * _NS

_BE = 1000
_EPW = _E // _NW
_ECH = _EPW // _BE
_BN = 1000
_NCH = _N // _BN
_NCH_PT = -(-_NCH // _NS)

_BLK = 5000
_G = _N // _BLK


def _mesh():
    return plsc.VectorSubcoreMesh(core_axis_name="c", subcore_axis_name="s")


@functools.partial(
    pl.kernel,
    out_type=jax.ShapeDtypeStruct((_NC * _N,), jnp.float32),
    mesh=_mesh(),
    scratch_types=[
        pltpu.VMEM((_BE,), jnp.int32),
        pltpu.VMEM((_BN,), jnp.float32),
        pltpu.VMEM_SHARED((_N,), jnp.float32),
        pltpu.SemaphoreType.DMA,
    ],
)
def _sc_deg(dst_hbm, out_hbm, idx_v, val_v, acc_sp, sem):
    c = lax.axis_index("c")
    s = lax.axis_index("s")
    wid = s * _NC + c

    def fill(i, carry):
        val_v[pl.ds(i * 16, 16)] = jnp.full((16,), carry, jnp.float32)
        return carry

    lax.fori_loop(0, _BN // 16, fill, jnp.float32(0.0))

    def zero_chunk(j, carry):
        ch = s + j * _NS

        @pl.when(ch < _NCH)
        def _():
            pltpu.sync_copy(val_v, acc_sp.at[pl.ds(ch * _BN, _BN)])

        return carry

    lax.fori_loop(0, _NCH_PT, zero_chunk, 0)
    plsc.subcore_barrier()

    lax.fori_loop(0, _BN // 16, fill, jnp.float32(1.0))

    def body(j, carry):
        off = wid * _EPW + j * _BE
        pltpu.sync_copy(dst_hbm.at[pl.ds(off, _BE)], idx_v)
        pltpu.sync_copy(val_v.at[pl.ds(0, _BE)], acc_sp.at[idx_v], add=True)
        return carry

    lax.fori_loop(0, _ECH, body, 0)
    plsc.subcore_barrier()

    def writeback(j, carry):
        ch = s + j * _NS

        @pl.when(ch < _NCH)
        def _():
            pltpu.sync_copy(acc_sp.at[pl.ds(ch * _BN, _BN)], val_v)
            pltpu.sync_copy(val_v, out_hbm.at[pl.ds(c * _N + ch * _BN, _BN)])

        return carry

    lax.fori_loop(0, _NCH_PT, writeback, 0)


@functools.partial(
    pl.kernel,
    out_type=jax.ShapeDtypeStruct((_NC, _N, _H), jnp.float32),
    mesh=_mesh(),
    compiler_params=pltpu.CompilerParams(use_tc_tiling_on_sc=False),
    scratch_types=[
        pltpu.VMEM((_BE,), jnp.int32),
        pltpu.VMEM((_BE,), jnp.int32),
        pltpu.VMEM((_BE, _H), jnp.float32),
        pltpu.VMEM_SHARED((_N, _H), jnp.float32),
        pltpu.SemaphoreType.DMA,
    ],
)
def _sc_agg(tbl_hbm, src_hbm, dst_hbm, out_hbm, src_v, dst_v, rows_v, acc_sp,
            sem):
    c = lax.axis_index("c")
    s = lax.axis_index("s")
    wid = s * _NC + c

    def zrow(i, carry):
        rows_v[i, :] = jnp.zeros((16,), jnp.float32)
        return carry

    lax.fori_loop(0, _BE, zrow, 0)

    def zero_chunk(j, carry):
        ch = s + j * _NS

        @pl.when(ch < _NCH)
        def _():
            pltpu.sync_copy(rows_v.at[pl.ds(0, _BN)],
                            acc_sp.at[pl.ds(ch * _BN, _BN)])

        return carry

    lax.fori_loop(0, _NCH_PT, zero_chunk, 0)
    plsc.subcore_barrier()

    def body(j, carry):
        off = wid * _EPW + j * _BE
        pltpu.sync_copy(src_hbm.at[pl.ds(off, _BE)], src_v)
        pltpu.sync_copy(dst_hbm.at[pl.ds(off, _BE)], dst_v)
        pltpu.async_copy(tbl_hbm.at[src_v], rows_v, sem).wait()
        pltpu.sync_copy(rows_v, acc_sp.at[dst_v], add=True)
        return carry

    lax.fori_loop(0, _ECH, body, 0)
    plsc.subcore_barrier()

    def writeback(j, carry):
        ch = s + j * _NS

        @pl.when(ch < _NCH)
        def _():
            pltpu.sync_copy(acc_sp.at[pl.ds(ch * _BN, _BN)],
                            rows_v.at[pl.ds(0, _BN)])
            pltpu.sync_copy(rows_v.at[pl.ds(0, _BN)],
                            out_hbm.at[c, pl.ds(ch * _BN, _BN)])

        return carry

    lax.fori_loop(0, _NCH_PT, writeback, 0)


def _k1_body(x_ref, w1_ref, b1_ref, wc_ref, deg_ref, a1p_ref, dinv_ref):
    h0 = jnp.maximum(
        jnp.dot(x_ref[...], w1_ref[...], preferred_element_type=jnp.float32)
        + b1_ref[...], 0.0)
    deg = deg_ref[0] + deg_ref[1] + 1.0
    dinv = lax.rsqrt(deg)
    a1 = jnp.dot(h0, wc_ref[...], preferred_element_type=jnp.float32)
    a1p_ref[...] = dinv * a1
    dinv_ref[...] = dinv


def _tc_k1(x, W1, b1, Wc0, deg_p):
    return pl.pallas_call(
        _k1_body,
        grid=(_G,),
        in_specs=[
            pl.BlockSpec((_BLK, _F), lambda i: (i, 0)),
            pl.BlockSpec((_F, _H), lambda i: (0, 0)),
            pl.BlockSpec((1, _H), lambda i: (0, 0)),
            pl.BlockSpec((_H, _H), lambda i: (0, 0)),
            pl.BlockSpec((_NC, _BLK, 1), lambda i: (0, i, 0)),
        ],
        out_specs=[
            pl.BlockSpec((_BLK, _H), lambda i: (i, 0)),
            pl.BlockSpec((_BLK, 1), lambda i: (i, 0)),
        ],
        out_shape=[
            jax.ShapeDtypeStruct((_N, _H), jnp.float32),
            jax.ShapeDtypeStruct((_N, 1), jnp.float32),
        ],
    )(x, W1, b1, Wc0, deg_p)


def _k2_body(sp_ref, a1p_ref, dinv_ref, wc_ref, bc_ref, a2p_ref):
    dinv = dinv_ref[...]
    h1 = jnp.maximum(
        dinv * (sp_ref[0] + sp_ref[1] + a1p_ref[...]) + bc_ref[...], 0.0)
    a2 = jnp.dot(h1, wc_ref[...], preferred_element_type=jnp.float32)
    a2p_ref[...] = dinv * a2


def _tc_k2(s_p, a1p, dinv, Wc1, bc0):
    return pl.pallas_call(
        _k2_body,
        grid=(_G,),
        in_specs=[
            pl.BlockSpec((_NC, _BLK, _H), lambda i: (0, i, 0)),
            pl.BlockSpec((_BLK, _H), lambda i: (i, 0)),
            pl.BlockSpec((_BLK, 1), lambda i: (i, 0)),
            pl.BlockSpec((_H, _H), lambda i: (0, 0)),
            pl.BlockSpec((1, _H), lambda i: (0, 0)),
        ],
        out_specs=pl.BlockSpec((_BLK, _H), lambda i: (i, 0)),
        out_shape=jax.ShapeDtypeStruct((_N, _H), jnp.float32),
    )(s_p, a1p, dinv, Wc1, bc0)


def _k3_body(sp_ref, a2p_ref, dinv_ref, bc_ref, w2_ref, b2_ref, out_ref):
    dinv = dinv_ref[...]
    h2 = jnp.maximum(
        dinv * (sp_ref[0] + sp_ref[1] + a2p_ref[...]) + bc_ref[...], 0.0)
    logits = jnp.dot(h2, w2_ref[...],
                     preferred_element_type=jnp.float32) + b2_ref[...]
    m = jnp.max(logits, axis=-1, keepdims=True)
    e = jnp.exp(logits - m)
    lse = m + jnp.log(jnp.sum(e, axis=-1, keepdims=True))
    out_ref[...] = logits - lse


def _tc_k3(s_p, a2p, dinv, bc1, W2, b2):
    return pl.pallas_call(
        _k3_body,
        grid=(_G,),
        in_specs=[
            pl.BlockSpec((_NC, _BLK, _H), lambda i: (0, i, 0)),
            pl.BlockSpec((_BLK, _H), lambda i: (i, 0)),
            pl.BlockSpec((_BLK, 1), lambda i: (i, 0)),
            pl.BlockSpec((1, _H), lambda i: (0, 0)),
            pl.BlockSpec((_H, _C), lambda i: (0, 0)),
            pl.BlockSpec((1, _C), lambda i: (0, 0)),
        ],
        out_specs=pl.BlockSpec((_BLK, _C), lambda i: (i, 0)),
        out_shape=jax.ShapeDtypeStruct((_N, _C), jnp.float32),
    )(s_p, a2p, dinv, bc1, W2, b2)


def kernel(x, edge_index, edge_weight, W1, b1, Wc0, bc0, Wc1, bc1, W2, b2):
    src = edge_index[0]
    dst = edge_index[1]
    deg_p = _sc_deg(dst).reshape(_NC, _N, 1)
    a1p, dinv = _tc_k1(x, W1, b1.reshape(1, _H), Wc0, deg_p)
    s1p = _sc_agg(a1p, src, dst)
    a2p = _tc_k2(s1p, a1p, dinv, Wc1, bc0.reshape(1, _H))
    s2p = _sc_agg(a2p, src, dst)
    return _tc_k3(s2p, a2p, dinv, bc1.reshape(1, _H), W2, b2.reshape(1, _C))

# --- scband reference (transcript-rebuilt; emitter-appended) ---
"""Pipeline reference for scband-gcn-31104153158272 (READ-ONLY COPY).

The authoritative reference and input builder live on the scoring server;
editing this copy changes nothing except your own understanding.
"""

import jax, jax.numpy as jnp
import numpy as np

N = 100000
E = 3200000
F_IN = 128
H = 16
C = 18


def setup_inputs(seed: int = 0) -> dict:
    key = jax.random.key(seed)
    ks = jax.random.split(key, 12)
    x = jax.random.normal(ks[0], (N, F_IN), dtype=jnp.float32)
    edge_index = jax.random.randint(ks[1], (2, E), 0, N, dtype=jnp.int32)
    edge_weight = jax.random.uniform(ks[2], (E,), dtype=jnp.float32)
    s = 0.05
    W1 = jax.random.normal(ks[3], (F_IN, H), dtype=jnp.float32) * s
    b1 = jnp.zeros((H,), dtype=jnp.float32)
    Wc0 = jax.random.normal(ks[4], (H, H), dtype=jnp.float32) * s
    bc0 = jnp.zeros((H,), dtype=jnp.float32)
    Wc1 = jax.random.normal(ks[5], (H, H), dtype=jnp.float32) * s
    bc1 = jnp.zeros((H,), dtype=jnp.float32)
    W2 = jax.random.normal(ks[6], (H, C), dtype=jnp.float32) * s
    b2 = jnp.zeros((C,), dtype=jnp.float32)
    return {"x": x, "edge_index": edge_index, "edge_weight": edge_weight,
            "W1": W1, "b1": b1, "Wc0": Wc0, "bc0": bc0,
            "Wc1": Wc1, "bc1": bc1, "W2": W2, "b2": b2}


def _gcn_conv(h, src, dst, W, b, n):
    # PyG GCNConv: add self-loops, symmetric deg normalization, scatter-add aggregate
    h = h @ W
    loop = jnp.arange(n, dtype=src.dtype)
    src2 = jnp.concatenate([src, loop])
    dst2 = jnp.concatenate([dst, loop])
    ew = jnp.ones((src2.shape[0],), dtype=h.dtype)
    deg = jax.ops.segment_sum(ew, dst2, num_segments=n)
    dinv = jnp.where(deg > 0, jax.lax.rsqrt(jnp.maximum(deg, 1e-12)), 0.0)
    norm = dinv[src2] * dinv[dst2]
    msg = h[src2] * norm[:, None]
    out = jax.ops.segment_sum(msg, dst2, num_segments=n)
    return out + b


def reference(x, edge_index, edge_weight, W1, b1, Wc0, bc0, Wc1, bc1, W2, b2):
    # eval mode: dropout is identity; edge_weight is unpacked but unused by the convs
    src = edge_index[0]
    dst = edge_index[1]
    h = jax.nn.relu(x @ W1 + b1)
    h = jax.nn.relu(_gcn_conv(h, src, dst, Wc0, bc0, N))
    h = jax.nn.relu(_gcn_conv(h, src, dst, Wc1, bc1, N))
    out = h @ W2 + b2
    return jax.nn.log_softmax(out, axis=-1)

if __name__ == "__main__":
    import jax
    _d = setup_inputs()
    print(jax.jit(kernel)(*tuple(_d.values())))

</pallas_src>

<mosaic_0001>
#map = affine_map<(d0, d1) -> (0)>
module attributes {stable_mosaic.version = 14 : i64} {
  func.func @_sc_deg(%arg0: i32, %arg1: i32, %arg2: memref<3200000xi32, #tpu.memory_space<hbm>>, %arg3: memref<200000xf32, #tpu.memory_space<hbm>>, %arg4: memref<1000xi32, #tpu.memory_space<vmem>>, %arg5: memref<1000xf32, #tpu.memory_space<vmem>>, %arg6: memref<100000xf32, #tpu.memory_space<vmem_shared>>, %arg7: memref<!tpu.dma_semaphore, #tpu.memory_space<semaphore_mem>>) attributes {dimension_semantics = [#tpu.dimension_semantics<core_parallel>, #tpu.dimension_semantics<subcore_parallel>], iteration_bounds = array<i64: 2, 16>, scalar_prefetch = 0 : i64, scratch_operands = 4 : i64, tpu.core_type = #tpu.core_type<sc_vector_subcore>, window_params = [{transform_indices = #map}, {transform_indices = #map}]} {
    %mul3A = arith.constant 2 : i32
    %mul3A_0 = arith.muli %arg1, %mul3A : i32
    %add3A = arith.addi %mul3A_0, %arg0 : i32
    %scan3A = arith.constant 0.000000e+00 : f32
    %scan3A_1 = arith.constant 0 : i32
    %scan3A_2 = arith.constant 62 : i32
    %scan3A_3 = arith.addi %scan3A_1, %scan3A_2 : i32
    %scan3A_4 = arith.constant 1 : i32
    scf.for %scan3A_31 = %scan3A_1 to %scan3A_3 step %scan3A_4  : i32 {
      %broadcast_in_dim3A = vector.broadcast %scan3A : f32 to vector<16xf32>
      %mul3A_32 = arith.constant 16 : i32
      %mul3A_33 = arith.muli %scan3A_31, %mul3A_32 : i32
      %swap3A = arith.index_cast %mul3A_33 : i32 to index
      %swap3A_34 = tpu.vector_load %arg5[%swap3A] {strides = array<i32>} : memref<1000xf32, #tpu.memory_space<vmem>>, vector<16xf32>,
      %swap3A_35 = vector.shape_cast %swap3A_34 : vector<16xf32> to vector<16xf32>
      %swap3A_36 = vector.shape_cast %broadcast_in_dim3A : vector<16xf32> to vector<16xf32>
      tpu.vector_store %arg5[%swap3A], %swap3A_36 {strides = array<i32>} : memref<1000xf32, #tpu.memory_space<vmem>>, vector<16xf32>,
    }
    %scan3A_5 = arith.constant 62 : i32
    %scan3A_6 = arith.constant 0 : i32
    %scan3A_7 = arith.constant 0 : i32
    %scan3A_8 = arith.constant 7 : i32
    %scan3A_9 = arith.addi %scan3A_7, %scan3A_8 : i32
    %scan3A_10 = arith.constant 1 : i32
    scf.for %scan3A_31 = %scan3A_7 to %scan3A_9 step %scan3A_10  : i32 {
      %mul3A_32 = arith.constant 16 : i32
      %mul3A_33 = arith.muli %scan3A_31, %mul3A_32 : i32
      %add3A_34 = arith.addi %arg1, %mul3A_33 : i32
      %lt3A = arith.constant 100 : i32
      %lt3A_35 = arith.cmpi slt, %add3A_34, %lt3A : i32
      %convert_element_type3A = arith.extui %lt3A_35 : i1 to i32
      %cond3A = arith.constant 0 : i32
      %cond3A_36 = arith.cmpi ne, %convert_element_type3A, %cond3A : i32
      scf.if %cond3A_36 {
        %mul3A_37 = arith.constant 1000 : i32
        %mul3A_38 = arith.muli %add3A_34, %mul3A_37 : i32
        "tpu.region"() ({
          %run_scoped3A = tpu.sem_alloc : memref<!tpu.dma_semaphore, #tpu.memory_space<semaphore_mem>>
          %dma_start3A = tpu.memref_slice %arg6[%mul3A_38] : memref<100000xf32, #tpu.memory_space<vmem_shared>> -> memref<1000xf32, #tpu.memory_space<vmem_shared>>
          %dma_start3A_39 = tpu.memref_slice %arg6[%mul3A_38] : memref<100000xf32, #tpu.memory_space<vmem_shared>> -> memref<1000xf32, #tpu.memory_space<vmem_shared>>
          tpu.enqueue_dma source(%arg5 : memref<1000xf32, #tpu.memory_space<vmem>>) target(%dma_start3A_39 : memref<1000xf32, #tpu.memory_space<vmem_shared>>) target_semaphore(%run_scoped3A : memref<!tpu.dma_semaphore, #tpu.memory_space<semaphore_mem>>)
          %dma_wait3A = tpu.memref_slice %arg6[%mul3A_38] : memref<100000xf32, #tpu.memory_space<vmem_shared>> -> memref<1000xf32, #tpu.memory_space<vmem_shared>>
          %dma_wait3A_40 = tpu.memref_slice %arg6[%mul3A_38] : memref<100000xf32, #tpu.memory_space<vmem_shared>> -> memref<1000xf32, #tpu.memory_space<vmem_shared>>
          tpu.wait_dma2 semaphore(%run_scoped3A : memref<!tpu.dma_semaphore, #tpu.memory_space<semaphore_mem>>) src(%arg5 : memref<1000xf32, #tpu.memory_space<vmem>>) dst(%dma_wait3A_40 : memref<1000xf32, #tpu.memory_space<vmem_shared>>)
          tpu.yield
        }) : () -> ()
      } else {
      }
    }
    %scan3A_11 = arith.constant 7 : i32
    %barrier3A = arith.constant 0 : index
    tpu.barrier barrier_id(%barrier3A)
    %scan3A_12 = arith.constant 1.000000e+00 : f32
    %scan3A_13 = arith.constant 0 : i32
    %scan3A_14 = arith.constant 62 : i32
    %scan3A_15 = arith.addi %scan3A_13, %scan3A_14 : i32
    %scan3A_16 = arith.constant 1 : i32
    scf.for %scan3A_31 = %scan3A_13 to %scan3A_15 step %scan3A_16  : i32 {
      %broadcast_in_dim3A = vector.broadcast %scan3A_12 : f32 to vector<16xf32>
      %mul3A_32 = arith.constant 16 : i32
      %mul3A_33 = arith.muli %scan3A_31, %mul3A_32 : i32
      %swap3A = arith.index_cast %mul3A_33 : i32 to index
      %swap3A_34 = tpu.vector_load %arg5[%swap3A] {strides = array<i32>} : memref<1000xf32, #tpu.memory_space<vmem>>, vector<16xf32>,
      %swap3A_35 = vector.shape_cast %swap3A_34 : vector<16xf32> to vector<16xf32>
      %swap3A_36 = vector.shape_cast %broadcast_in_dim3A : vector<16xf32> to vector<16xf32>
      tpu.vector_store %arg5[%swap3A], %swap3A_36 {strides = array<i32>} : memref<1000xf32, #tpu.memory_space<vmem>>, vector<16xf32>,
    }
    %scan3A_17 = arith.constant 62 : i32
    %scan3A_18 = arith.constant 0 : i32
    %scan3A_19 = arith.constant 0 : i32
    %scan3A_20 = arith.constant 100 : i32
    %scan3A_21 = arith.addi %scan3A_19, %scan3A_20 : i32
    %scan3A_22 = arith.constant 1 : i32
    scf.for %scan3A_31 = %scan3A_19 to %scan3A_21 step %scan3A_22  : i32 {
      %mul3A_32 = arith.constant 100000 : i32
      %mul3A_33 = arith.muli %add3A, %mul3A_32 : i32
      %mul3A_34 = arith.constant 1000 : i32
      %mul3A_35 = arith.muli %scan3A_31, %mul3A_34 : i32
      %add3A_36 = arith.addi %mul3A_33, %mul3A_35 : i32
      "tpu.region"() ({
        %run_scoped3A = tpu.sem_alloc : memref<!tpu.dma_semaphore, #tpu.memory_space<semaphore_mem>>
        %dma_start3A = tpu.memref_slice %arg2[%add3A_36] : memref<3200000xi32, #tpu.memory_space<hbm>> -> memref<1000xi32, #tpu.memory_space<hbm>>
        %dma_start3A_37 = tpu.memref_slice %arg2[%add3A_36] : memref<3200000xi32, #tpu.memory_space<hbm>> -> memref<1000xi32, #tpu.memory_space<hbm>>
        tpu.enqueue_dma source(%dma_start3A_37 : memref<1000xi32, #tpu.memory_space<hbm>>) target(%arg4 : memref<1000xi32, #tpu.memory_space<vmem>>) target_semaphore(%run_scoped3A : memref<!tpu.dma_semaphore, #tpu.memory_space<semaphore_mem>>)
        %dma_wait3A = tpu.memref_slice %arg2[%add3A_36] : memref<3200000xi32, #tpu.memory_space<hbm>> -> memref<1000xi32, #tpu.memory_space<hbm>>
        %dma_wait3A_38 = tpu.memref_slice %arg2[%add3A_36] : memref<3200000xi32, #tpu.memory_space<hbm>> -> memref<1000xi32, #tpu.memory_space<hbm>>
        tpu.wait_dma2 semaphore(%run_scoped3A : memref<!tpu.dma_semaphore, #tpu.memory_space<semaphore_mem>>) src(%dma_wait3A_38 : memref<1000xi32, #tpu.memory_space<hbm>>) dst(%arg4 : memref<1000xi32, #tpu.memory_space<vmem>>)
        tpu.yield
      }) : () -> ()
      "tpu.region"() ({
        %run_scoped3A = tpu.sem_alloc : memref<!tpu.dma_semaphore, #tpu.memory_space<semaphore_mem>>
        %dma_start3A = arith.constant 0 : i32
        %dma_start3A_37 = tpu.memref_slice %arg5[%dma_start3A] : memref<1000xf32, #tpu.memory_space<vmem>> -> memref<1000xf32, #tpu.memory_space<vmem>>
        %dma_start3A_38 = arith.constant 0 : i32
        %dma_start3A_39 = tpu.memref_slice %arg6[%dma_start3A_38] : memref<100000xf32, #tpu.memory_space<vmem_shared>> -> memref<100000xf32, #tpu.memory_space<vmem_shared>>
        tpu.enqueue_indirect_dma source(%dma_start3A_37 : memref<1000xf32, #tpu.memory_space<vmem>>) target(%dma_start3A_39 : memref<100000xf32, #tpu.memory_space<vmem_shared>>) offsets(%arg4 : memref<1000xi32, #tpu.memory_space<vmem>>) semaphore(%run_scoped3A : memref<!tpu.dma_semaphore, #tpu.memory_space<semaphore_mem>>) {add = true}
        %dma_wait3A = arith.constant 0 : i32
        %dma_wait3A_40 = tpu.memref_slice %arg5[%dma_wait3A] : memref<1000xf32, #tpu.memory_space<vmem>> -> memref<1000xf32, #tpu.memory_space<vmem>>
        %dma_wait3A_41 = arith.constant 0 : i32
        %dma_wait3A_42 = tpu.memref_slice %arg6[%dma_wait3A_41] : memref<100000xf32, #tpu.memory_space<vmem_shared>> -> memref<100000xf32, #tpu.memory_space<vmem_shared>>
        tpu.wait_indirect_dma semaphore(%run_scoped3A : memref<!tpu.dma_semaphore, #tpu.memory_space<semaphore_mem>>) src(%dma_wait3A_40 : memref<1000xf32, #tpu.memory_space<vmem>>) dst(%dma_wait3A_42 : memref<100000xf32, #tpu.memory_space<vmem_shared>>)
        tpu.yield
      }) : () -> ()
    }
    %scan3A_23 = arith.constant 100 : i32
    %barrier3A_24 = arith.constant 0 : index
    tpu.barrier barrier_id(%barrier3A_24)
    %scan3A_25 = arith.constant 0 : i32
    %scan3A_26 = arith.constant 0 : i32
    %scan3A_27 = arith.constant 7 : i32
    %scan3A_28 = arith.addi %scan3A_26, %scan3A_27 : i32
    %scan3A_29 = arith.constant 1 : i32
    scf.for %scan3A_31 = %scan3A_26 to %scan3A_28 step %scan3A_29  : i32 {
      %mul3A_32 = arith.constant 16 : i32
      %mul3A_33 = arith.muli %scan3A_31, %mul3A_32 : i32
      %add3A_34 = arith.addi %arg1, %mul3A_33 : i32
      %lt3A = arith.constant 100 : i32
      %lt3A_35 = arith.cmpi slt, %add3A_34, %lt3A : i32
      %convert_element_type3A = arith.extui %lt3A_35 : i1 to i32
      %cond3A = arith.constant 0 : i32
      %cond3A_36 = arith.cmpi ne, %convert_element_type3A, %cond3A : i32
      scf.if %cond3A_36 {
        %mul3A_37 = arith.constant 1000 : i32
        %mul3A_38 = arith.muli %add3A_34, %mul3A_37 : i32
        "tpu.region"() ({
          %run_scoped3A = tpu.sem_alloc : memref<!tpu.dma_semaphore, #tpu.memory_space<semaphore_mem>>
          %dma_start3A = tpu.memref_slice %arg6[%mul3A_38] : memref<100000xf32, #tpu.memory_space<vmem_shared>> -> memref<1000xf32, #tpu.memory_space<vmem_shared>>
          %dma_start3A_44 = tpu.memref_slice %arg6[%mul3A_38] : memref<100000xf32, #tpu.memory_space<vmem_shared>> -> memref<1000xf32, #tpu.memory_space<vmem_shared>>
          tpu.enqueue_dma source(%dma_start3A_44 : memref<1000xf32, #tpu.memory_space<vmem_shared>>) target(%arg5 : memref<1000xf32, #tpu.memory_space<vmem>>) target_semaphore(%run_scoped3A : memref<!tpu.dma_semaphore, #tpu.memory_space<semaphore_mem>>)
          %dma_wait3A = tpu.memref_slice %arg6[%mul3A_38] : memref<100000xf32, #tpu.memory_space<vmem_shared>> -> memref<1000xf32, #tpu.memory_space<vmem_shared>>
          %dma_wait3A_45 = tpu.memref_slice %arg6[%mul3A_38] : memref<100000xf32, #tpu.memory_space<vmem_shared>> -> memref<1000xf32, #tpu.memory_space<vmem_shared>>
          tpu.wait_dma2 semaphore(%run_scoped3A : memref<!tpu.dma_semaphore, #tpu.memory_space<semaphore_mem>>) src(%dma_wait3A_45 : memref<1000xf32, #tpu.memory_space<vmem_shared>>) dst(%arg5 : memref<1000xf32, #tpu.memory_space<vmem>>)
          tpu.yield
        }) : () -> ()
        %mul3A_39 = arith.constant 100000 : i32
        %mul3A_40 = arith.muli %arg0, %mul3A_39 : i32
        %mul3A_41 = arith.constant 1000 : i32
        %mul3A_42 = arith.muli %add3A_34, %mul3A_41 : i32
        %add3A_43 = arith.addi %mul3A_40, %mul3A_42 : i32
        "tpu.region"() ({
          %run_scoped3A = tpu.sem_alloc : memref<!tpu.dma_semaphore, #tpu.memory_space<semaphore_mem>>
          %dma_start3A = tpu.memref_slice %arg3[%add3A_43] : memref<200000xf32, #tpu.memory_space<hbm>> -> memref<1000xf32, #tpu.memory_space<hbm>>
          %dma_start3A_44 = tpu.memref_slice %arg3[%add3A_43] : memref<200000xf32, #tpu.memory_space<hbm>> -> memref<1000xf32, #tpu.memory_space<hbm>>
          tpu.enqueue_dma source(%arg5 : memref<1000xf32, #tpu.memory_space<vmem>>) target(%dma_start3A_44 : memref<1000xf32, #tpu.memory_space<hbm>>) target_semaphore(%run_scoped3A : memref<!tpu.dma_semaphore, #tpu.memory_space<semaphore_mem>>)
          %dma_wait3A = tpu.memref_slice %arg3[%add3A_43] : memref<200000xf32, #tpu.memory_space<hbm>> -> memref<1000xf32, #tpu.memory_space<hbm>>
          %dma_wait3A_45 = tpu.memref_slice %arg3[%add3A_43] : memref<200000xf32, #tpu.memory_space<hbm>> -> memref<1000xf32, #tpu.memory_space<hbm>>
          tpu.wait_dma2 semaphore(%run_scoped3A : memref<!tpu.dma_semaphore, #tpu.memory_space<semaphore_mem>>) src(%arg5 : memref<1000xf32, #tpu.memory_space<vmem>>) dst(%dma_wait3A_45 : memref<1000xf32, #tpu.memory_space<hbm>>)
          tpu.yield
        }) : () -> ()
      } else {
      }
    }
    %scan3A_30 = arith.constant 7 : i32
    return
  }
}

#map = affine_map<(d0, d1) -> (0, 0)>
#map1 = affine_map<(d0, d1) -> (0)>
#map2 = affine_map<(d0, d1) -> (0, 0, 0)>
module attributes {stable_mosaic.version = 14 : i64} {
  func.func @_sc_agg(%arg0: i32, %arg1: i32, %arg2: memref<100000x16xf32, #tpu.memory_space<hbm>>, %arg3: memref<3200000xi32, #tpu.memory_space<hbm>>, %arg4: memref<3200000xi32, #tpu.memory_space<hbm>>, %arg5: memref<2x100000x16xf32, #tpu.memory_space<hbm>>, %arg6: memref<1000xi32, #tpu.memory_space<vmem>>, %arg7: memref<1000xi32, #tpu.memory_space<vmem>>, %arg8: memref<1000x16xf32, #tpu.memory_space<vmem>>, %arg9: memref<100000x16xf32, #tpu.memory_space<vmem_shared>>, %arg10: memref<!tpu.dma_semaphore, #tpu.memory_space<semaphore_mem>>) attributes {dimension_semantics = [#tpu.dimension_semantics<core_parallel>, #tpu.dimension_semantics<subcore_parallel>], iteration_bounds = array<i64: 2, 16>, scalar_prefetch = 0 : i64, scratch_operands = 5 : i64, tpu.core_type = #tpu.core_type<sc_vector_subcore>, window_params = [{transform_indices = #map}, {transform_indices = #map1}, {transform_indices = #map1}, {transform_indices = #map2}]} {
    %mul3A = arith.constant 2 : i32
    %mul3A_0 = arith.muli %arg1, %mul3A : i32
    %add3A = arith.addi %mul3A_0, %arg0 : i32
    %scan3A = arith.constant 0 : i32
    %scan3A_1 = arith.constant 0 : i32
    %scan3A_2 = arith.constant 1000 : i32
    %scan3A_3 = arith.addi %scan3A_1, %scan3A_2 : i32
    %scan3A_4 = arith.constant 1 : i32
    scf.for %scan3A_25 = %scan3A_1 to %scan3A_3 step %scan3A_4  : i32 {
      %broadcast_in_dim3A = arith.constant 0.000000e+00 : f32
      %broadcast_in_dim3A_26 = vector.broadcast %broadcast_in_dim3A : f32 to vector<16xf32>
      %swap3A = arith.index_cast %scan3A_25 : i32 to index
      %swap3A_27 = arith.constant 0 : index
      %swap3A_28 = tpu.vector_load %arg8[%swap3A, %swap3A_27] {strides = array<i32>} : memref<1000x16xf32, #tpu.memory_space<vmem>>, vector<1x16xf32>,
      %swap3A_29 = vector.shape_cast %swap3A_28 : vector<1x16xf32> to vector<16xf32>
      %swap3A_30 = vector.shape_cast %broadcast_in_dim3A_26 : vector<16xf32> to vector<1x16xf32>
      tpu.vector_store %arg8[%swap3A, %swap3A_27], %swap3A_30 {strides = array<i32>} : memref<1000x16xf32, #tpu.memory_space<vmem>>, vector<1x16xf32>,
    }
    %scan3A_5 = arith.constant 1000 : i32
    %scan3A_6 = arith.constant 0 : i32
    %scan3A_7 = arith.constant 0 : i32
    %scan3A_8 = arith.constant 7 : i32
    %scan3A_9 = arith.addi %scan3A_7, %scan3A_8 : i32
    %scan3A_10 = arith.constant 1 : i32
    scf.for %scan3A_25 = %scan3A_7 to %scan3A_9 step %scan3A_10  : i32 {
      %mul3A_26 = arith.constant 16 : i32
      %mul3A_27 = arith.muli %scan3A_25, %mul3A_26 : i32
      %add3A_28 = arith.addi %arg1, %mul3A_27 : i32
      %lt3A = arith.constant 100 : i32
      %lt3A_29 = arith.cmpi slt, %add3A_28, %lt3A : i32
      %convert_element_type3A = arith.extui %lt3A_29 : i1 to i32
      %cond3A = arith.constant 0 : i32
      %cond3A_30 = arith.cmpi ne, %convert_element_type3A, %cond3A : i32
      scf.if %cond3A_30 {
        %mul3A_31 = arith.constant 1000 : i32
        %mul3A_32 = arith.muli %add3A_28, %mul3A_31 : i32
        "tpu.region"() ({
          %run_scoped3A = tpu.sem_alloc : memref<!tpu.dma_semaphore, #tpu.memory_space<semaphore_mem>>
          %dma_start3A = arith.constant 0 : i32
          %dma_start3A_33 = arith.constant 0 : i32
          %dma_start3A_34 = tpu.memref_slice %arg8[%dma_start3A, %dma_start3A_33] : memref<1000x16xf32, #tpu.memory_space<vmem>> -> memref<1000x16xf32, #tpu.memory_space<vmem>>
          %dma_start3A_35 = arith.constant 0 : i32
          %dma_start3A_36 = tpu.memref_slice %arg9[%mul3A_32, %dma_start3A_35] : memref<100000x16xf32, #tpu.memory_space<vmem_shared>> -> memref<1000x16xf32, #tpu.memory_space<vmem_shared>>
          %dma_start3A_37 = arith.constant 0 : i32
          %dma_start3A_38 = tpu.memref_slice %arg9[%mul3A_32, %dma_start3A_37] : memref<100000x16xf32, #tpu.memory_space<vmem_shared>> -> memref<1000x16xf32, #tpu.memory_space<vmem_shared>>
          %dma_start3A_39 = arith.constant 0 : i32
          %dma_start3A_40 = arith.constant 0 : i32
          %dma_start3A_41 = tpu.memref_slice %arg8[%dma_start3A_39, %dma_start3A_40] : memref<1000x16xf32, #tpu.memory_space<vmem>> -> memref<1000x16xf32, #tpu.memory_space<vmem>>
          tpu.enqueue_dma source(%dma_start3A_41 : memref<1000x16xf32, #tpu.memory_space<vmem>>) target(%dma_start3A_38 : memref<1000x16xf32, #tpu.memory_space<vmem_shared>>) target_semaphore(%run_scoped3A : memref<!tpu.dma_semaphore, #tpu.memory_space<semaphore_mem>>)
          %dma_wait3A = arith.constant 0 : i32
          %dma_wait3A_42 = arith.constant 0 : i32
          %dma_wait3A_43 = tpu.memref_slice %arg8[%dma_wait3A, %dma_wait3A_42] : memref<1000x16xf32, #tpu.memory_space<vmem>> -> memref<1000x16xf32, #tpu.memory_space<vmem>>
          %dma_wait3A_44 = arith.constant 0 : i32
          %dma_wait3A_45 = tpu.memref_slice %arg9[%mul3A_32, %dma_wait3A_44] : memref<100000x16xf32, #tpu.memory_space<vmem_shared>> -> memref<1000x16xf32, #tpu.memory_space<vmem_shared>>
          %dma_wait3A_46 = arith.constant 0 : i32
          %dma_wait3A_47 = tpu.memref_slice %arg9[%mul3A_32, %dma_wait3A_46] : memref<100000x16xf32, #tpu.memory_space<vmem_shared>> -> memref<1000x16xf32, #tpu.memory_space<vmem_shared>>
          %dma_wait3A_48 = arith.constant 0 : i32
          %dma_wait3A_49 = arith.constant 0 : i32
          %dma_wait3A_50 = tpu.memref_slice %arg8[%dma_wait3A_48, %dma_wait3A_49] : memref<1000x16xf32, #tpu.memory_space<vmem>> -> memref<1000x16xf32, #tpu.memory_space<vmem>>
          tpu.wait_dma2 semaphore(%run_scoped3A : memref<!tpu.dma_semaphore, #tpu.memory_space<semaphore_mem>>) src(%dma_wait3A_50 : memref<1000x16xf32, #tpu.memory_space<vmem>>) dst(%dma_wait3A_47 : memref<1000x16xf32, #tpu.memory_space<vmem_shared>>)
          tpu.yield
        }) : () -> ()
      } else {
      }
    }
    %scan3A_11 = arith.constant 7 : i32
    %barrier3A = arith.constant 0 : index
    tpu.barrier barrier_id(%barrier3A)
    %scan3A_12 = arith.constant 0 : i32
    %scan3A_13 = arith.constant 0 : i32
    %scan3A_14 = arith.constant 100 : i32
    %scan3A_15 = arith.addi %scan3A_13, %scan3A_14 : i32
    %scan3A_16 = arith.constant 1 : i32
    scf.for %scan3A_25 = %scan3A_13 to %scan3A_15 step %scan3A_16  : i32 {
      %mul3A_26 = arith.constant 100000 : i32
      %mul3A_27 = arith.muli %add3A, %mul3A_26 : i32
      %mul3A_28 = arith.constant 1000 : i32
      %mul3A_29 = arith.muli %scan3A_25, %mul3A_28 : i32
      %add3A_30 = arith.addi %mul3A_27, %mul3A_29 : i32
      "tpu.region"() ({
        %run_scoped3A = tpu.sem_alloc : memref<!tpu.dma_semaphore, #tpu.memory_space<semaphore_mem>>
        %dma_start3A_35 = tpu.memref_slice %arg3[%add3A_30] : memref<3200000xi32, #tpu.memory_space<hbm>> -> memref<1000xi32, #tpu.memory_space<hbm>>
        %dma_start3A_36 = tpu.memref_slice %arg3[%add3A_30] : memref<3200000xi32, #tpu.memory_space<hbm>> -> memref<1000xi32, #tpu.memory_space<hbm>>
        tpu.enqueue_dma source(%dma_start3A_36 : memref<1000xi32, #tpu.memory_space<hbm>>) target(%arg6 : memref<1000xi32, #tpu.memory_space<vmem>>) target_semaphore(%run_scoped3A : memref<!tpu.dma_semaphore, #tpu.memory_space<semaphore_mem>>)
        %dma_wait3A_37 = tpu.memref_slice %arg3[%add3A_30] : memref<3200000xi32, #tpu.memory_space<hbm>> -> memref<1000xi32, #tpu.memory_space<hbm>>
        %dma_wait3A_38 = tpu.memref_slice %arg3[%add3A_30] : memref<3200000xi32, #tpu.memory_space<hbm>> -> memref<1000xi32, #tpu.memory_space<hbm>>
        tpu.wait_dma2 semaphore(%run_scoped3A : memref<!tpu.dma_semaphore, #tpu.memory_space<semaphore_mem>>) src(%dma_wait3A_38 : memref<1000xi32, #tpu.memory_space<hbm>>) dst(%arg6 : memref<1000xi32, #tpu.memory_space<vmem>>)
        tpu.yield
      }) : () -> ()
      "tpu.region"() ({
        %run_scoped3A = tpu.sem_alloc : memref<!tpu.dma_semaphore, #tpu.memory_space<semaphore_mem>>
        %dma_start3A_35 = tpu.memref_slice %arg4[%add3A_30] : memref<3200000xi32, #tpu.memory_space<hbm>> -> memref<1000xi32, #tpu.memory_space<hbm>>
        %dma_start3A_36 = tpu.memref_slice %arg4[%add3A_30] : memref<3200000xi32, #tpu.memory_space<hbm>> -> memref<1000xi32, #tpu.memory_space<hbm>>
        tpu.enqueue_dma source(%dma_start3A_36 : memref<1000xi32, #tpu.memory_space<hbm>>) target(%arg7 : memref<1000xi32, #tpu.memory_space<vmem>>) target_semaphore(%run_scoped3A : memref<!tpu.dma_semaphore, #tpu.memory_space<semaphore_mem>>)
        %dma_wait3A_37 = tpu.memref_slice %arg4[%add3A_30] : memref<3200000xi32, #tpu.memory_space<hbm>> -> memref<1000xi32, #tpu.memory_space<hbm>>
        %dma_wait3A_38 = tpu.memref_slice %arg4[%add3A_30] : memref<3200000xi32, #tpu.memory_space<hbm>> -> memref<1000xi32, #tpu.memory_space<hbm>>
        tpu.wait_dma2 semaphore(%run_scoped3A : memref<!tpu.dma_semaphore, #tpu.memory_space<semaphore_mem>>) src(%dma_wait3A_38 : memref<1000xi32, #tpu.memory_space<hbm>>) dst(%arg7 : memref<1000xi32, #tpu.memory_space<vmem>>)
        tpu.yield
      }) : () -> ()
      %dma_start3A = arith.constant 0 : i32
      %dma_start3A_31 = arith.constant 0 : i32
      %dma_start3A_32 = tpu.memref_slice %arg2[%dma_start3A, %dma_start3A_31] : memref<100000x16xf32, #tpu.memory_space<hbm>> -> memref<100000x16xf32, #tpu.memory_space<hbm>>
      tpu.enqueue_indirect_dma source(%dma_start3A_32 : memref<100000x16xf32, #tpu.memory_space<hbm>>) target(%arg8 : memref<1000x16xf32, #tpu.memory_space<vmem>>) offsets(%arg6 : memref<1000xi32, #tpu.memory_space<vmem>>) semaphore(%arg10 : memref<!tpu.dma_semaphore, #tpu.memory_space<semaphore_mem>>)
      %dma_wait3A = arith.constant 0 : i32
      %dma_wait3A_33 = arith.constant 0 : i32
      %dma_wait3A_34 = tpu.memref_slice %arg2[%dma_wait3A, %dma_wait3A_33] : memref<100000x16xf32, #tpu.memory_space<hbm>> -> memref<100000x16xf32, #tpu.memory_space<hbm>>
      tpu.wait_indirect_dma semaphore(%arg10 : memref<!tpu.dma_semaphore, #tpu.memory_space<semaphore_mem>>) src(%dma_wait3A_34 : memref<100000x16xf32, #tpu.memory_space<hbm>>) dst(%arg8 : memref<1000x16xf32, #tpu.memory_space<vmem>>)
      "tpu.region"() ({
        %run_scoped3A = tpu.sem_alloc : memref<!tpu.dma_semaphore, #tpu.memory_space<semaphore_mem>>
        %dma_start3A_35 = arith.constant 0 : i32
        %dma_start3A_36 = arith.constant 0 : i32
        %dma_start3A_37 = tpu.memref_slice %arg9[%dma_start3A_35, %dma_start3A_36] : memref<100000x16xf32, #tpu.memory_space<vmem_shared>> -> memref<100000x16xf32, #tpu.memory_space<vmem_shared>>
        tpu.enqueue_indirect_dma source(%arg8 : memref<1000x16xf32, #tpu.memory_space<vmem>>) target(%dma_start3A_37 : memref<100000x16xf32, #tpu.memory_space<vmem_shared>>) offsets(%arg7 : memref<1000xi32, #tpu.memory_space<vmem>>) semaphore(%run_scoped3A : memref<!tpu.dma_semaphore, #tpu.memory_space<semaphore_mem>>) {add = true}
        %dma_wait3A_38 = arith.constant 0 : i32
        %dma_wait3A_39 = arith.constant 0 : i32
        %dma_wait3A_40 = tpu.memref_slice %arg9[%dma_wait3A_38, %dma_wait3A_39] : memref<100000x16xf32, #tpu.memory_space<vmem_shared>> -> memref<100000x16xf32, #tpu.memory_space<vmem_shared>>
        tpu.wait_indirect_dma semaphore(%run_scoped3A : memref<!tpu.dma_semaphore, #tpu.memory_space<semaphore_mem>>) src(%arg8 : memref<1000x16xf32, #tpu.memory_space<vmem>>) dst(%dma_wait3A_40 : memref<100000x16xf32, #tpu.memory_space<vmem_shared>>)
        tpu.yield
      }) : () -> ()
    }
    %scan3A_17 = arith.constant 100 : i32
    %barrier3A_18 = arith.constant 0 : index
    tpu.barrier barrier_id(%barrier3A_18)
    %scan3A_19 = arith.constant 0 : i32
    %scan3A_20 = arith.constant 0 : i32
    %scan3A_21 = arith.constant 7 : i32
    %scan3A_22 = arith.addi %scan3A_20, %scan3A_21 : i32
    %scan3A_23 = arith.constant 1 : i32
    scf.for %scan3A_25 = %scan3A_20 to %scan3A_22 step %scan3A_23  : i32 {
      %mul3A_26 = arith.constant 16 : i32
      %mul3A_27 = arith.muli %scan3A_25, %mul3A_26 : i32
      %add3A_28 = arith.addi %arg1, %mul3A_27 : i32
      %lt3A = arith.constant 100 : i32
      %lt3A_29 = arith.cmpi slt, %add3A_28, %lt3A : i32
      %convert_element_type3A = arith.extui %lt3A_29 : i1 to i32
      %cond3A = arith.constant 0 : i32
      %cond3A_30 = arith.cmpi ne, %convert_element_type3A, %cond3A : i32
      scf.if %cond3A_30 {
        %mul3A_31 = arith.constant 1000 : i32
        %mul3A_32 = arith.muli %add3A_28, %mul3A_31 : i32
        "tpu.region"() ({
          %run_scoped3A = tpu.sem_alloc : memref<!tpu.dma_semaphore, #tpu.memory_space<semaphore_mem>>
          %dma_start3A = arith.constant 0 : i32
          %dma_start3A_35 = arith.constant 0 : i32
          %dma_start3A_36 = tpu.memref_slice %arg8[%dma_start3A, %dma_start3A_35] : memref<1000x16xf32, #tpu.memory_space<vmem>> -> memref<1000x16xf32, #tpu.memory_space<vmem>>
          %dma_start3A_37 = arith.constant 0 : i32
          %dma_start3A_38 = tpu.memref_slice %arg9[%mul3A_32, %dma_start3A_37] : memref<100000x16xf32, #tpu.memory_space<vmem_shared>> -> memref<1000x16xf32, #tpu.memory_space<vmem_shared>>
          %dma_start3A_39 = arith.constant 0 : i32
          %dma_start3A_40 = arith.constant 0 : i32
          %dma_start3A_41 = tpu.memref_slice %arg8[%dma_start3A_39, %dma_start3A_40] : memref<1000x16xf32, #tpu.memory_space<vmem>> -> memref<1000x16xf32, #tpu.memory_space<vmem>>
          %dma_start3A_42 = arith.constant 0 : i32
          %dma_start3A_43 = tpu.memref_slice %arg9[%mul3A_32, %dma_start3A_42] : memref<100000x16xf32, #tpu.memory_space<vmem_shared>> -> memref<1000x16xf32, #tpu.memory_space<vmem_shared>>
          tpu.enqueue_dma source(%dma_start3A_43 : memref<1000x16xf32, #tpu.memory_space<vmem_shared>>) target(%dma_start3A_41 : memref<1000x16xf32, #tpu.memory_space<vmem>>) target_semaphore(%run_scoped3A : memref<!tpu.dma_semaphore, #tpu.memory_space<semaphore_mem>>)
          %dma_wait3A = arith.constant 0 : i32
          %dma_wait3A_44 = arith.constant 0 : i32
          %dma_wait3A_45 = tpu.memref_slice %arg8[%dma_wait3A, %dma_wait3A_44] : memref<1000x16xf32, #tpu.memory_space<vmem>> -> memref<1000x16xf32, #tpu.memory_space<vmem>>
          %dma_wait3A_46 = arith.constant 0 : i32
          %dma_wait3A_47 = tpu.memref_slice %arg9[%mul3A_32, %dma_wait3A_46] : memref<100000x16xf32, #tpu.memory_space<vmem_shared>> -> memref<1000x16xf32, #tpu.memory_space<vmem_shared>>
          %dma_wait3A_48 = arith.constant 0 : i32
          %dma_wait3A_49 = arith.constant 0 : i32
          %dma_wait3A_50 = tpu.memref_slice %arg8[%dma_wait3A_48, %dma_wait3A_49] : memref<1000x16xf32, #tpu.memory_space<vmem>> -> memref<1000x16xf32, #tpu.memory_space<vmem>>
          %dma_wait3A_51 = arith.constant 0 : i32
          %dma_wait3A_52 = tpu.memref_slice %arg9[%mul3A_32, %dma_wait3A_51] : memref<100000x16xf32, #tpu.memory_space<vmem_shared>> -> memref<1000x16xf32, #tpu.memory_space<vmem_shared>>
          tpu.wait_dma2 semaphore(%run_scoped3A : memref<!tpu.dma_semaphore, #tpu.memory_space<semaphore_mem>>) src(%dma_wait3A_52 : memref<1000x16xf32, #tpu.memory_space<vmem_shared>>) dst(%dma_wait3A_50 : memref<1000x16xf32, #tpu.memory_space<vmem>>)
          tpu.yield
        }) : () -> ()
        %mul3A_33 = arith.constant 1000 : i32
        %mul3A_34 = arith.muli %add3A_28, %mul3A_33 : i32
        "tpu.region"() ({
          %run_scoped3A = tpu.sem_alloc : memref<!tpu.dma_semaphore, #tpu.memory_space<semaphore_mem>>
          %dma_start3A = arith.constant 0 : i32
          %dma_start3A_35 = arith.constant 0 : i32
          %dma_start3A_36 = tpu.memref_slice %arg8[%dma_start3A, %dma_start3A_35] : memref<1000x16xf32, #tpu.memory_space<vmem>> -> memref<1000x16xf32, #tpu.memory_space<vmem>>
          %dma_start3A_37 = arith.constant 0 : i32
          %dma_start3A_38 = tpu.memref_slice %arg5[%arg0, %mul3A_34, %dma_start3A_37] : memref<2x100000x16xf32, #tpu.memory_space<hbm>> -> memref<1x1000x16xf32, #tpu.memory_space<hbm>>
          %dma_start3A_39 = tpu.memref_squeeze %dma_start3A_38 : memref<1x1000x16xf32, #tpu.memory_space<hbm>> -> memref<1000x16xf32, #tpu.memory_space<hbm>>
          %dma_start3A_40 = arith.constant 0 : i32
          %dma_start3A_41 = tpu.memref_slice %arg5[%arg0, %mul3A_34, %dma_start3A_40] : memref<2x100000x16xf32, #tpu.memory_space<hbm>> -> memref<1x1000x16xf32, #tpu.memory_space<hbm>>
          %dma_start3A_42 = tpu.memref_squeeze %dma_start3A_41 : memref<1x1000x16xf32, #tpu.memory_space<hbm>> -> memref<1000x16xf32, #tpu.memory_space<hbm>>
          %dma_start3A_43 = arith.constant 0 : i32
          %dma_start3A_44 = arith.constant 0 : i32
          %dma_start3A_45 = tpu.memref_slice %arg8[%dma_start3A_43, %dma_start3A_44] : memref<1000x16xf32, #tpu.memory_space<vmem>> -> memref<1000x16xf32, #tpu.memory_space<vmem>>
          tpu.enqueue_dma source(%dma_start3A_45 : memref<1000x16xf32, #tpu.memory_space<vmem>>) target(%dma_start3A_42 : memref<1000x16xf32, #tpu.memory_space<hbm>>) target_semaphore(%run_scoped3A : memref<!tpu.dma_semaphore, #tpu.memory_space<semaphore_mem>>)
          %dma_wait3A = arith.constant 0 : i32
          %dma_wait3A_46 = arith.constant 0 : i32
          %dma_wait3A_47 = tpu.memref_slice %arg8[%dma_wait3A, %dma_wait3A_46] : memref<1000x16xf32, #tpu.memory_space<vmem>> -> memref<1000x16xf32, #tpu.memory_space<vmem>>
          %dma_wait3A_48 = arith.constant 0 : i32
          %dma_wait3A_49 = tpu.memref_slice %arg5[%arg0, %mul3A_34, %dma_wait3A_48] : memref<2x100000x16xf32, #tpu.memory_space<hbm>> -> memref<1x1000x16xf32, #tpu.memory_space<hbm>>
          %dma_wait3A_50 = tpu.memref_squeeze %dma_wait3A_49 : memref<1x1000x16xf32, #tpu.memory_space<hbm>> -> memref<1000x16xf32, #tpu.memory_space<hbm>>
          %dma_wait3A_51 = arith.constant 0 : i32
          %dma_wait3A_52 = tpu.memref_slice %arg5[%arg0, %mul3A_34, %dma_wait3A_51] : memref<2x100000x16xf32, #tpu.memory_space<hbm>> -> memref<1x1000x16xf32, #tpu.memory_space<hbm>>
          %dma_wait3A_53 = tpu.memref_squeeze %dma_wait3A_52 : memref<1x1000x16xf32, #tpu.memory_space<hbm>> -> memref<1000x16xf32, #tpu.memory_space<hbm>>
          %dma_wait3A_54 = arith.constant 0 : i32
          %dma_wait3A_55 = arith.constant 0 : i32
          %dma_wait3A_56 = tpu.memref_slice %arg8[%dma_wait3A_54, %dma_wait3A_55] : memref<1000x16xf32, #tpu.memory_space<vmem>> -> memref<1000x16xf32, #tpu.memory_space<vmem>>
          tpu.wait_dma2 semaphore(%run_scoped3A : memref<!tpu.dma_semaphore, #tpu.memory_space<semaphore_mem>>) src(%dma_wait3A_56 : memref<1000x16xf32, #tpu.memory_space<vmem>>) dst(%dma_wait3A_53 : memref<1000x16xf32, #tpu.memory_space<hbm>>)
          tpu.yield
        }) : () -> ()
      } else {
      }
    }
    %scan3A_24 = arith.constant 7 : i32
    return
  }
}

#map = affine_map<(d0, d1) -> (0, 0)>
#map1 = affine_map<(d0, d1) -> (0)>
#map2 = affine_map<(d0, d1) -> (0, 0, 0)>
module attributes {stable_mosaic.version = 14 : i64} {
  func.func @_sc_agg(%arg0: i32, %arg1: i32, %arg2: memref<100000x16xf32, #tpu.memory_space<hbm>>, %arg3: memref<3200000xi32, #tpu.memory_space<hbm>>, %arg4: memref<3200000xi32, #tpu.memory_space<hbm>>, %arg5: memref<2x100000x16xf32, #tpu.memory_space<hbm>>, %arg6: memref<1000xi32, #tpu.memory_space<vmem>>, %arg7: memref<1000xi32, #tpu.memory_space<vmem>>, %arg8: memref<1000x16xf32, #tpu.memory_space<vmem>>, %arg9: memref<100000x16xf32, #tpu.memory_space<vmem_shared>>, %arg10: memref<!tpu.dma_semaphore, #tpu.memory_space<semaphore_mem>>) attributes {dimension_semantics = [#tpu.dimension_semantics<core_parallel>, #tpu.dimension_semantics<subcore_parallel>], iteration_bounds = array<i64: 2, 16>, scalar_prefetch = 0 : i64, scratch_operands = 5 : i64, tpu.core_type = #tpu.core_type<sc_vector_subcore>, window_params = [{transform_indices = #map}, {transform_indices = #map1}, {transform_indices = #map1}, {transform_indices = #map2}]} {
    %mul3A = arith.constant 2 : i32
    %mul3A_0 = arith.muli %arg1, %mul3A : i32
    %add3A = arith.addi %mul3A_0, %arg0 : i32
    %scan3A = arith.constant 0 : i32
    %scan3A_1 = arith.constant 0 : i32
    %scan3A_2 = arith.constant 1000 : i32
    %scan3A_3 = arith.addi %scan3A_1, %scan3A_2 : i32
    %scan3A_4 = arith.constant 1 : i32
    scf.for %scan3A_25 = %scan3A_1 to %scan3A_3 step %scan3A_4  : i32 {
      %broadcast_in_dim3A = arith.constant 0.000000e+00 : f32
      %broadcast_in_dim3A_26 = vector.broadcast %broadcast_in_dim3A : f32 to vector<16xf32>
      %swap3A = arith.index_cast %scan3A_25 : i32 to index
      %swap3A_27 = arith.constant 0 : index
      %swap3A_28 = tpu.vector_load %arg8[%swap3A, %swap3A_27] {strides = array<i32>} : memref<1000x16xf32, #tpu.memory_space<vmem>>, vector<1x16xf32>,
      %swap3A_29 = vector.shape_cast %swap3A_28 : vector<1x16xf32> to vector<16xf32>
      %swap3A_30 = vector.shape_cast %broadcast_in_dim3A_26 : vector<16xf32> to vector<1x16xf32>
      tpu.vector_store %arg8[%swap3A, %swap3A_27], %swap3A_30 {strides = array<i32>} : memref<1000x16xf32, #tpu.memory_space<vmem>>, vector<1x16xf32>,
    }
    %scan3A_5 = arith.constant 1000 : i32
    %scan3A_6 = arith.constant 0 : i32
    %scan3A_7 = arith.constant 0 : i32
    %scan3A_8 = arith.constant 7 : i32
    %scan3A_9 = arith.addi %scan3A_7, %scan3A_8 : i32
    %scan3A_10 = arith.constant 1 : i32
    scf.for %scan3A_25 = %scan3A_7 to %scan3A_9 step %scan3A_10  : i32 {
      %mul3A_26 = arith.constant 16 : i32
      %mul3A_27 = arith.muli %scan3A_25, %mul3A_26 : i32
      %add3A_28 = arith.addi %arg1, %mul3A_27 : i32
      %lt3A = arith.constant 100 : i32
      %lt3A_29 = arith.cmpi slt, %add3A_28, %lt3A : i32
      %convert_element_type3A = arith.extui %lt3A_29 : i1 to i32
      %cond3A = arith.constant 0 : i32
      %cond3A_30 = arith.cmpi ne, %convert_element_type3A, %cond3A : i32
      scf.if %cond3A_30 {
        %mul3A_31 = arith.constant 1000 : i32
        %mul3A_32 = arith.muli %add3A_28, %mul3A_31 : i32
        "tpu.region"() ({
          %run_scoped3A = tpu.sem_alloc : memref<!tpu.dma_semaphore, #tpu.memory_space<semaphore_mem>>
          %dma_start3A = arith.constant 0 : i32
          %dma_start3A_33 = arith.constant 0 : i32
          %dma_start3A_34 = tpu.memref_slice %arg8[%dma_start3A, %dma_start3A_33] : memref<1000x16xf32, #tpu.memory_space<vmem>> -> memref<1000x16xf32, #tpu.memory_space<vmem>>
          %dma_start3A_35 = arith.constant 0 : i32
          %dma_start3A_36 = tpu.memref_slice %arg9[%mul3A_32, %dma_start3A_35] : memref<100000x16xf32, #tpu.memory_space<vmem_shared>> -> memref<1000x16xf32, #tpu.memory_space<vmem_shared>>
          %dma_start3A_37 = arith.constant 0 : i32
          %dma_start3A_38 = tpu.memref_slice %arg9[%mul3A_32, %dma_start3A_37] : memref<100000x16xf32, #tpu.memory_space<vmem_shared>> -> memref<1000x16xf32, #tpu.memory_space<vmem_shared>>
          %dma_start3A_39 = arith.constant 0 : i32
          %dma_start3A_40 = arith.constant 0 : i32
          %dma_start3A_41 = tpu.memref_slice %arg8[%dma_start3A_39, %dma_start3A_40] : memref<1000x16xf32, #tpu.memory_space<vmem>> -> memref<1000x16xf32, #tpu.memory_space<vmem>>
          tpu.enqueue_dma source(%dma_start3A_41 : memref<1000x16xf32, #tpu.memory_space<vmem>>) target(%dma_start3A_38 : memref<1000x16xf32, #tpu.memory_space<vmem_shared>>) target_semaphore(%run_scoped3A : memref<!tpu.dma_semaphore, #tpu.memory_space<semaphore_mem>>)
          %dma_wait3A = arith.constant 0 : i32
          %dma_wait3A_42 = arith.constant 0 : i32
          %dma_wait3A_43 = tpu.memref_slice %arg8[%dma_wait3A, %dma_wait3A_42] : memref<1000x16xf32, #tpu.memory_space<vmem>> -> memref<1000x16xf32, #tpu.memory_space<vmem>>
          %dma_wait3A_44 = arith.constant 0 : i32
          %dma_wait3A_45 = tpu.memref_slice %arg9[%mul3A_32, %dma_wait3A_44] : memref<100000x16xf32, #tpu.memory_space<vmem_shared>> -> memref<1000x16xf32, #tpu.memory_space<vmem_shared>>
          %dma_wait3A_46 = arith.constant 0 : i32
          %dma_wait3A_47 = tpu.memref_slice %arg9[%mul3A_32, %dma_wait3A_46] : memref<100000x16xf32, #tpu.memory_space<vmem_shared>> -> memref<1000x16xf32, #tpu.memory_space<vmem_shared>>
          %dma_wait3A_48 = arith.constant 0 : i32
          %dma_wait3A_49 = arith.constant 0 : i32
          %dma_wait3A_50 = tpu.memref_slice %arg8[%dma_wait3A_48, %dma_wait3A_49] : memref<1000x16xf32, #tpu.memory_space<vmem>> -> memref<1000x16xf32, #tpu.memory_space<vmem>>
          tpu.wait_dma2 semaphore(%run_scoped3A : memref<!tpu.dma_semaphore, #tpu.memory_space<semaphore_mem>>) src(%dma_wait3A_50 : memref<1000x16xf32, #tpu.memory_space<vmem>>) dst(%dma_wait3A_47 : memref<1000x16xf32, #tpu.memory_space<vmem_shared>>)
          tpu.yield
        }) : () -> ()
      } else {
      }
    }
    %scan3A_11 = arith.constant 7 : i32
    %barrier3A = arith.constant 0 : index
    tpu.barrier barrier_id(%barrier3A)
    %scan3A_12 = arith.constant 0 : i32
    %scan3A_13 = arith.constant 0 : i32
    %scan3A_14 = arith.constant 100 : i32
    %scan3A_15 = arith.addi %scan3A_13, %scan3A_14 : i32
    %scan3A_16 = arith.constant 1 : i32
    scf.for %scan3A_25 = %scan3A_13 to %scan3A_15 step %scan3A_16  : i32 {
      %mul3A_26 = arith.constant 100000 : i32
      %mul3A_27 = arith.muli %add3A, %mul3A_26 : i32
      %mul3A_28 = arith.constant 1000 : i32
      %mul3A_29 = arith.muli %scan3A_25, %mul3A_28 : i32
      %add3A_30 = arith.addi %mul3A_27, %mul3A_29 : i32
      "tpu.region"() ({
        %run_scoped3A = tpu.sem_alloc : memref<!tpu.dma_semaphore, #tpu.memory_space<semaphore_mem>>
        %dma_start3A_35 = tpu.memref_slice %arg3[%add3A_30] : memref<3200000xi32, #tpu.memory_space<hbm>> -> memref<1000xi32, #tpu.memory_space<hbm>>
        %dma_start3A_36 = tpu.memref_slice %arg3[%add3A_30] : memref<3200000xi32, #tpu.memory_space<hbm>> -> memref<1000xi32, #tpu.memory_space<hbm>>
        tpu.enqueue_dma source(%dma_start3A_36 : memref<1000xi32, #tpu.memory_space<hbm>>) target(%arg6 : memref<1000xi32, #tpu.memory_space<vmem>>) target_semaphore(%run_scoped3A : memref<!tpu.dma_semaphore, #tpu.memory_space<semaphore_mem>>)
        %dma_wait3A_37 = tpu.memref_slice %arg3[%add3A_30] : memref<3200000xi32, #tpu.memory_space<hbm>> -> memref<1000xi32, #tpu.memory_space<hbm>>
        %dma_wait3A_38 = tpu.memref_slice %arg3[%add3A_30] : memref<3200000xi32, #tpu.memory_space<hbm>> -> memref<1000xi32, #tpu.memory_space<hbm>>
        tpu.wait_dma2 semaphore(%run_scoped3A : memref<!tpu.dma_semaphore, #tpu.memory_space<semaphore_mem>>) src(%dma_wait3A_38 : memref<1000xi32, #tpu.memory_space<hbm>>) dst(%arg6 : memref<1000xi32, #tpu.memory_space<vmem>>)
        tpu.yield
      }) : () -> ()
      "tpu.region"() ({
        %run_scoped3A = tpu.sem_alloc : memref<!tpu.dma_semaphore, #tpu.memory_space<semaphore_mem>>
        %dma_start3A_35 = tpu.memref_slice %arg4[%add3A_30] : memref<3200000xi32, #tpu.memory_space<hbm>> -> memref<1000xi32, #tpu.memory_space<hbm>>
        %dma_start3A_36 = tpu.memref_slice %arg4[%add3A_30] : memref<3200000xi32, #tpu.memory_space<hbm>> -> memref<1000xi32, #tpu.memory_space<hbm>>
        tpu.enqueue_dma source(%dma_start3A_36 : memref<1000xi32, #tpu.memory_space<hbm>>) target(%arg7 : memref<1000xi32, #tpu.memory_space<vmem>>) target_semaphore(%run_scoped3A : memref<!tpu.dma_semaphore, #tpu.memory_space<semaphore_mem>>)
        %dma_wait3A_37 = tpu.memref_slice %arg4[%add3A_30] : memref<3200000xi32, #tpu.memory_space<hbm>> -> memref<1000xi32, #tpu.memory_space<hbm>>
        %dma_wait3A_38 = tpu.memref_slice %arg4[%add3A_30] : memref<3200000xi32, #tpu.memory_space<hbm>> -> memref<1000xi32, #tpu.memory_space<hbm>>
        tpu.wait_dma2 semaphore(%run_scoped3A : memref<!tpu.dma_semaphore, #tpu.memory_space<semaphore_mem>>) src(%dma_wait3A_38 : memref<1000xi32, #tpu.memory_space<hbm>>) dst(%arg7 : memref<1000xi32, #tpu.memory_space<vmem>>)
        tpu.yield
      }) : () -> ()
      %dma_start3A = arith.constant 0 : i32
      %dma_start3A_31 = arith.constant 0 : i32
      %dma_start3A_32 = tpu.memref_slice %arg2[%dma_start3A, %dma_start3A_31] : memref<100000x16xf32, #tpu.memory_space<hbm>> -> memref<100000x16xf32, #tpu.memory_space<hbm>>
      tpu.enqueue_indirect_dma source(%dma_start3A_32 : memref<100000x16xf32, #tpu.memory_space<hbm>>) target(%arg8 : memref<1000x16xf32, #tpu.memory_space<vmem>>) offsets(%arg6 : memref<1000xi32, #tpu.memory_space<vmem>>) semaphore(%arg10 : memref<!tpu.dma_semaphore, #tpu.memory_space<semaphore_mem>>)
      %dma_wait3A = arith.constant 0 : i32
      %dma_wait3A_33 = arith.constant 0 : i32
      %dma_wait3A_34 = tpu.memref_slice %arg2[%dma_wait3A, %dma_wait3A_33] : memref<100000x16xf32, #tpu.memory_space<hbm>> -> memref<100000x16xf32, #tpu.memory_space<hbm>>
      tpu.wait_indirect_dma semaphore(%arg10 : memref<!tpu.dma_semaphore, #tpu.memory_space<semaphore_mem>>) src(%dma_wait3A_34 : memref<100000x16xf32, #tpu.memory_space<hbm>>) dst(%arg8 : memref<1000x16xf32, #tpu.memory_space<vmem>>)
      "tpu.region"() ({
        %run_scoped3A = tpu.sem_alloc : memref<!tpu.dma_semaphore, #tpu.memory_space<semaphore_mem>>
        %dma_start3A_35 = arith.constant 0 : i32
        %dma_start3A_36 = arith.constant 0 : i32
        %dma_start3A_37 = tpu.memref_slice %arg9[%dma_start3A_35, %dma_start3A_36] : memref<100000x16xf32, #tpu.memory_space<vmem_shared>> -> memref<100000x16xf32, #tpu.memory_space<vmem_shared>>
        tpu.enqueue_indirect_dma source(%arg8 : memref<1000x16xf32, #tpu.memory_space<vmem>>) target(%dma_start3A_37 : memref<100000x16xf32, #tpu.memory_space<vmem_shared>>) offsets(%arg7 : memref<1000xi32, #tpu.memory_space<vmem>>) semaphore(%run_scoped3A : memref<!tpu.dma_semaphore, #tpu.memory_space<semaphore_mem>>) {add = true}
        %dma_wait3A_38 = arith.constant 0 : i32
        %dma_wait3A_39 = arith.constant 0 : i32
        %dma_wait3A_40 = tpu.memref_slice %arg9[%dma_wait3A_38, %dma_wait3A_39] : memref<100000x16xf32, #tpu.memory_space<vmem_shared>> -> memref<100000x16xf32, #tpu.memory_space<vmem_shared>>
        tpu.wait_indirect_dma semaphore(%run_scoped3A : memref<!tpu.dma_semaphore, #tpu.memory_space<semaphore_mem>>) src(%arg8 : memref<1000x16xf32, #tpu.memory_space<vmem>>) dst(%dma_wait3A_40 : memref<100000x16xf32, #tpu.memory_space<vmem_shared>>)
        tpu.yield
      }) : () -> ()
    }
    %scan3A_17 = arith.constant 100 : i32
    %barrier3A_18 = arith.constant 0 : index
    tpu.barrier barrier_id(%barrier3A_18)
    %scan3A_19 = arith.constant 0 : i32
    %scan3A_20 = arith.constant 0 : i32
    %scan3A_21 = arith.constant 7 : i32
    %scan3A_22 = arith.addi %scan3A_20, %scan3A_21 : i32
    %scan3A_23 = arith.constant 1 : i32
    scf.for %scan3A_25 = %scan3A_20 to %scan3A_22 step %scan3A_23  : i32 {
      %mul3A_26 = arith.constant 16 : i32
      %mul3A_27 = arith.muli %scan3A_25, %mul3A_26 : i32
      %add3A_28 = arith.addi %arg1, %mul3A_27 : i32
      %lt3A = arith.constant 100 : i32
      %lt3A_29 = arith.cmpi slt, %add3A_28, %lt3A : i32
      %convert_element_type3A = arith.extui %lt3A_29 : i1 to i32
      %cond3A = arith.constant 0 : i32
      %cond3A_30 = arith.cmpi ne, %convert_element_type3A, %cond3A : i32
      scf.if %cond3A_30 {
        %mul3A_31 = arith.constant 1000 : i32
        %mul3A_32 = arith.muli %add3A_28, %mul3A_31 : i32
        "tpu.region"() ({
          %run_scoped3A = tpu.sem_alloc : memref<!tpu.dma_semaphore, #tpu.memory_space<semaphore_mem>>
          %dma_start3A = arith.constant 0 : i32
          %dma_start3A_35 = arith.constant 0 : i32
          %dma_start3A_36 = tpu.memref_slice %arg8[%dma_start3A, %dma_start3A_35] : memref<1000x16xf32, #tpu.memory_space<vmem>> -> memref<1000x16xf32, #tpu.memory_space<vmem>>
          %dma_start3A_37 = arith.constant 0 : i32
          %dma_start3A_38 = tpu.memref_slice %arg9[%mul3A_32, %dma_start3A_37] : memref<100000x16xf32, #tpu.memory_space<vmem_shared>> -> memref<1000x16xf32, #tpu.memory_space<vmem_shared>>
          %dma_start3A_39 = arith.constant 0 : i32
          %dma_start3A_40 = arith.constant 0 : i32
          %dma_start3A_41 = tpu.memref_slice %arg8[%dma_start3A_39, %dma_start3A_40] : memref<1000x16xf32, #tpu.memory_space<vmem>> -> memref<1000x16xf32, #tpu.memory_space<vmem>>
          %dma_start3A_42 = arith.constant 0 : i32
          %dma_start3A_43 = tpu.memref_slice %arg9[%mul3A_32, %dma_start3A_42] : memref<100000x16xf32, #tpu.memory_space<vmem_shared>> -> memref<1000x16xf32, #tpu.memory_space<vmem_shared>>
          tpu.enqueue_dma source(%dma_start3A_43 : memref<1000x16xf32, #tpu.memory_space<vmem_shared>>) target(%dma_start3A_41 : memref<1000x16xf32, #tpu.memory_space<vmem>>) target_semaphore(%run_scoped3A : memref<!tpu.dma_semaphore, #tpu.memory_space<semaphore_mem>>)
          %dma_wait3A = arith.constant 0 : i32
          %dma_wait3A_44 = arith.constant 0 : i32
          %dma_wait3A_45 = tpu.memref_slice %arg8[%dma_wait3A, %dma_wait3A_44] : memref<1000x16xf32, #tpu.memory_space<vmem>> -> memref<1000x16xf32, #tpu.memory_space<vmem>>
          %dma_wait3A_46 = arith.constant 0 : i32
          %dma_wait3A_47 = tpu.memref_slice %arg9[%mul3A_32, %dma_wait3A_46] : memref<100000x16xf32, #tpu.memory_space<vmem_shared>> -> memref<1000x16xf32, #tpu.memory_space<vmem_shared>>
          %dma_wait3A_48 = arith.constant 0 : i32
          %dma_wait3A_49 = arith.constant 0 : i32
          %dma_wait3A_50 = tpu.memref_slice %arg8[%dma_wait3A_48, %dma_wait3A_49] : memref<1000x16xf32, #tpu.memory_space<vmem>> -> memref<1000x16xf32, #tpu.memory_space<vmem>>
          %dma_wait3A_51 = arith.constant 0 : i32
          %dma_wait3A_52 = tpu.memref_slice %arg9[%mul3A_32, %dma_wait3A_51] : memref<100000x16xf32, #tpu.memory_space<vmem_shared>> -> memref<1000x16xf32, #tpu.memory_space<vmem_shared>>
          tpu.wait_dma2 semaphore(%run_scoped3A : memref<!tpu.dma_semaphore, #tpu.memory_space<semaphore_mem>>) src(%dma_wait3A_52 : memref<1000x16xf32, #tpu.memory_space<vmem_shared>>) dst(%dma_wait3A_50 : memref<1000x16xf32, #tpu.memory_space<vmem>>)
          tpu.yield
        }) : () -> ()
        %mul3A_33 = arith.constant 1000 : i32
        %mul3A_34 = arith.muli %add3A_28, %mul3A_33 : i32
        "tpu.region"() ({
          %run_scoped3A = tpu.sem_alloc : memref<!tpu.dma_semaphore, #tpu.memory_space<semaphore_mem>>
          %dma_start3A = arith.constant 0 : i32
          %dma_start3A_35 = arith.constant 0 : i32
          %dma_start3A_36 = tpu.memref_slice %arg8[%dma_start3A, %dma_start3A_35] : memref<1000x16xf32, #tpu.memory_space<vmem>> -> memref<1000x16xf32, #tpu.memory_space<vmem>>
          %dma_start3A_37 = arith.constant 0 : i32
          %dma_start3A_38 = tpu.memref_slice %arg5[%arg0, %mul3A_34, %dma_start3A_37] : memref<2x100000x16xf32, #tpu.memory_space<hbm>> -> memref<1x1000x16xf32, #tpu.memory_space<hbm>>
          %dma_start3A_39 = tpu.memref_squeeze %dma_start3A_38 : memref<1x1000x16xf32, #tpu.memory_space<hbm>> -> memref<1000x16xf32, #tpu.memory_space<hbm>>
          %dma_start3A_40 = arith.constant 0 : i32
          %dma_start3A_41 = tpu.memref_slice %arg5[%arg0, %mul3A_34, %dma_start3A_40] : memref<2x100000x16xf32, #tpu.memory_space<hbm>> -> memref<1x1000x16xf32, #tpu.memory_space<hbm>>
          %dma_start3A_42 = tpu.memref_squeeze %dma_start3A_41 : memref<1x1000x16xf32, #tpu.memory_space<hbm>> -> memref<1000x16xf32, #tpu.memory_space<hbm>>
          %dma_start3A_43 = arith.constant 0 : i32
          %dma_start3A_44 = arith.constant 0 : i32
          %dma_start3A_45 = tpu.memref_slice %arg8[%dma_start3A_43, %dma_start3A_44] : memref<1000x16xf32, #tpu.memory_space<vmem>> -> memref<1000x16xf32, #tpu.memory_space<vmem>>
          tpu.enqueue_dma source(%dma_start3A_45 : memref<1000x16xf32, #tpu.memory_space<vmem>>) target(%dma_start3A_42 : memref<1000x16xf32, #tpu.memory_space<hbm>>) target_semaphore(%run_scoped3A : memref<!tpu.dma_semaphore, #tpu.memory_space<semaphore_mem>>)
          %dma_wait3A = arith.constant 0 : i32
          %dma_wait3A_46 = arith.constant 0 : i32
          %dma_wait3A_47 = tpu.memref_slice %arg8[%dma_wait3A, %dma_wait3A_46] : memref<1000x16xf32, #tpu.memory_space<vmem>> -> memref<1000x16xf32, #tpu.memory_space<vmem>>
          %dma_wait3A_48 = arith.constant 0 : i32
          %dma_wait3A_49 = tpu.memref_slice %arg5[%arg0, %mul3A_34, %dma_wait3A_48] : memref<2x100000x16xf32, #tpu.memory_space<hbm>> -> memref<1x1000x16xf32, #tpu.memory_space<hbm>>
          %dma_wait3A_50 = tpu.memref_squeeze %dma_wait3A_49 : memref<1x1000x16xf32, #tpu.memory_space<hbm>> -> memref<1000x16xf32, #tpu.memory_space<hbm>>
          %dma_wait3A_51 = arith.constant 0 : i32
          %dma_wait3A_52 = tpu.memref_slice %arg5[%arg0, %mul3A_34, %dma_wait3A_51] : memref<2x100000x16xf32, #tpu.memory_space<hbm>> -> memref<1x1000x16xf32, #tpu.memory_space<hbm>>
          %dma_wait3A_53 = tpu.memref_squeeze %dma_wait3A_52 : memref<1x1000x16xf32, #tpu.memory_space<hbm>> -> memref<1000x16xf32, #tpu.memory_space<hbm>>
          %dma_wait3A_54 = arith.constant 0 : i32
          %dma_wait3A_55 = arith.constant 0 : i32
          %dma_wait3A_56 = tpu.memref_slice %arg8[%dma_wait3A_54, %dma_wait3A_55] : memref<1000x16xf32, #tpu.memory_space<vmem>> -> memref<1000x16xf32, #tpu.memory_space<vmem>>
          tpu.wait_dma2 semaphore(%run_scoped3A : memref<!tpu.dma_semaphore, #tpu.memory_space<semaphore_mem>>) src(%dma_wait3A_56 : memref<1000x16xf32, #tpu.memory_space<vmem>>) dst(%dma_wait3A_53 : memref<1000x16xf32, #tpu.memory_space<hbm>>)
          tpu.yield
        }) : () -> ()
      } else {
      }
    }
    %scan3A_24 = arith.constant 7 : i32
    return
  }
}

module attributes {stable_mosaic.version = 14 : i64} {
  func.func @_k1_body(%arg0: i32, %arg1: memref<5000x128xf32, #tpu.memory_space<vmem>>, %arg2: memref<128x16xf32, #tpu.memory_space<vmem>>, %arg3: memref<1x16xf32, #tpu.memory_space<vmem>>, %arg4: memref<16x16xf32, #tpu.memory_space<vmem>>, %arg5: memref<2x5000x1xf32, #tpu.memory_space<vmem>>, %arg6: memref<5000x16xf32, #tpu.memory_space<vmem>>, %arg7: memref<5000x1xf32, #tpu.memory_space<vmem>>) attributes {dimension_semantics = [#tpu.dimension_semantics<arbitrary>], iteration_bounds = array<i64: 20>, scalar_prefetch = 0 : i64, scratch_operands = 0 : i64, tpu.core_type = #tpu.core_type<tc>, window_params = [{transform_indices = @transform_0, window_bounds = array<i64: 5000, 128>}, {pipeline_mode = #tpu.pipeline_mode<synchronous>, transform_indices = @transform_1, window_bounds = array<i64: 128, 16>}, {pipeline_mode = #tpu.pipeline_mode<synchronous>, transform_indices = @transform_2, window_bounds = array<i64: 1, 16>}, {pipeline_mode = #tpu.pipeline_mode<synchronous>, transform_indices = @transform_3, window_bounds = array<i64: 16, 16>}, {transform_indices = @transform_4, window_bounds = array<i64: 2, 5000, 1>}, {transform_indices = @transform_5, window_bounds = array<i64: 5000, 16>}, {transform_indices = @transform_6, window_bounds = array<i64: 5000, 1>}]} {
    %get3A = arith.constant 0 : index
    %get3A_0 = arith.constant 0 : index
    %get3A_1 = vector.load %arg1[%get3A, %get3A_0] : memref<5000x128xf32, #tpu.memory_space<vmem>>, vector<5000x128xf32>
    %get3A_2 = arith.constant 0 : index
    %get3A_3 = arith.constant 0 : index
    %get3A_4 = vector.load %arg2[%get3A_2, %get3A_3] : memref<128x16xf32, #tpu.memory_space<vmem>>, vector<128x16xf32>
    %dot_general3A = arith.constant dense<0.000000e+00> : vector<5000x16xf32>
    %dot_general3A_5 = tpu.matmul %get3A_1, %get3A_4, %dot_general3A {dimension_numbers = #tpu.dot_dimension_numbers<[1], [0], [0], [1], [0, 0, 1, 1], [], []>, transpose_lhs_hint = false} : vector<5000x128xf32>, vector<128x16xf32>, vector<5000x16xf32> -> vector<5000x16xf32>
    %get3A_6 = arith.constant 0 : index
    %get3A_7 = arith.constant 0 : index
    %get3A_8 = vector.load %arg3[%get3A_6, %get3A_7] : memref<1x16xf32, #tpu.memory_space<vmem>>, vector<1x16xf32>
    %add3A = vector.broadcast %get3A_8 : vector<1x16xf32> to vector<5000x16xf32>
    %add3A_9 = arith.addf %dot_general3A_5, %add3A : vector<5000x16xf32>
    %max3A = arith.constant 0.000000e+00 : f32
    %max3A_10 = vector.broadcast %max3A : f32 to vector<5000x16xf32>
    %max3A_11 = arith.maximumf %add3A_9, %max3A_10 : vector<5000x16xf32>
    %get3A_12 = arith.constant 0 : index
    %get3A_13 = arith.constant 0 : index
    %get3A_14 = arith.constant 0 : index
    %get3A_15 = vector.load %arg5[%get3A_12, %get3A_13, %get3A_14] : memref<2x5000x1xf32, #tpu.memory_space<vmem>>, vector<1x5000x1xf32>
    %get3A_16 = vector.shape_cast %get3A_15 : vector<1x5000x1xf32> to vector<5000x1xf32>
    %get3A_17 = arith.constant 1 : index
    %get3A_18 = arith.constant 0 : index
    %get3A_19 = arith.constant 0 : index
    %get3A_20 = vector.load %arg5[%get3A_17, %get3A_18, %get3A_19] : memref<2x5000x1xf32, #tpu.memory_space<vmem>>, vector<1x5000x1xf32>
    %get3A_21 = vector.shape_cast %get3A_20 : vector<1x5000x1xf32> to vector<5000x1xf32>
    %add3A_22 = arith.addf %get3A_16, %get3A_21 : vector<5000x1xf32>
    %add3A_23 = arith.constant 1.000000e+00 : f32
    %add3A_24 = vector.broadcast %add3A_23 : f32 to vector<5000x1xf32>
    %add3A_25 = arith.addf %add3A_22, %add3A_24 : vector<5000x1xf32>
    %rsqrt3A = math.rsqrt %add3A_25 : vector<5000x1xf32>
    %get3A_26 = arith.constant 0 : index
    %get3A_27 = arith.constant 0 : index
    %get3A_28 = vector.load %arg4[%get3A_26, %get3A_27] : memref<16x16xf32, #tpu.memory_space<vmem>>, vector<16x16xf32>
    %dot_general3A_29 = arith.constant dense<0.000000e+00> : vector<5000x16xf32>
    %dot_general3A_30 = tpu.matmul %max3A_11, %get3A_28, %dot_general3A_29 {dimension_numbers = #tpu.dot_dimension_numbers<[1], [0], [0], [1], [0, 0, 1, 1], [], []>, transpose_lhs_hint = false} : vector<5000x16xf32>, vector<16x16xf32>, vector<5000x16xf32> -> vector<5000x16xf32>
    %mul3A = vector.broadcast %rsqrt3A : vector<5000x1xf32> to vector<5000x16xf32>
    %mul3A_31 = arith.mulf %mul3A, %dot_general3A_30 : vector<5000x16xf32>
    %swap3A = arith.constant 0 : index
    %swap3A_32 = arith.constant 0 : index
    %swap3A_33 = vector.load %arg6[%swap3A, %swap3A_32] : memref<5000x16xf32, #tpu.memory_space<vmem>>, vector<5000x16xf32>
    tpu.vector_store %arg6[%swap3A, %swap3A_32], %mul3A_31 {strides = array<i32>} : memref<5000x16xf32, #tpu.memory_space<vmem>>, vector<5000x16xf32>,
    %swap3A_34 = arith.constant 0 : index
    %swap3A_35 = arith.constant 0 : index
    %swap3A_36 = vector.load %arg7[%swap3A_34, %swap3A_35] : memref<5000x1xf32, #tpu.memory_space<vmem>>, vector<5000x1xf32>
    tpu.vector_store %arg7[%swap3A_34, %swap3A_35], %rsqrt3A {strides = array<i32>} : memref<5000x1xf32, #tpu.memory_space<vmem>>, vector<5000x1xf32>,
    return
  }
  func.func @transform_0(%arg0: i32) -> (i32, i32) {
    %c0_i32 = arith.constant 0 : i32
    %c0_i32_0 = arith.constant 0 : i32
    return %arg0, %c0_i32 : i32, i32
  }
  func.func @transform_1(%arg0: i32) -> (i32, i32) {
    %c0_i32 = arith.constant 0 : i32
    %c0_i32_0 = arith.constant 0 : i32
    %c0_i32_1 = arith.constant 0 : i32
    return %c0_i32, %c0_i32_0 : i32, i32
  }
  func.func @transform_2(%arg0: i32) -> (i32, i32) {
    %c0_i32 = arith.constant 0 : i32
    %c0_i32_0 = arith.constant 0 : i32
    %c0_i32_1 = arith.constant 0 : i32
    return %c0_i32, %c0_i32_0 : i32, i32
  }
  func.func @transform_3(%arg0: i32) -> (i32, i32) {
    %c0_i32 = arith.constant 0 : i32
    %c0_i32_0 = arith.constant 0 : i32
    %c0_i32_1 = arith.constant 0 : i32
    return %c0_i32, %c0_i32_0 : i32, i32
  }
  func.func @transform_4(%arg0: i32) -> (i32, i32, i32) {
    %c0_i32 = arith.constant 0 : i32
    %c0_i32_0 = arith.constant 0 : i32
    %c0_i32_1 = arith.constant 0 : i32
    return %c0_i32, %arg0, %c0_i32_0 : i32, i32, i32
  }
  func.func @transform_5(%arg0: i32) -> (i32, i32) {
    %c0_i32 = arith.constant 0 : i32
    %c0_i32_0 = arith.constant 0 : i32
    return %arg0, %c0_i32 : i32, i32
  }
  func.func @transform_6(%arg0: i32) -> (i32, i32) {
    %c0_i32 = arith.constant 0 : i32
    %c0_i32_0 = arith.constant 0 : i32
    return %arg0, %c0_i32 : i32, i32
  }
}

module attributes {stable_mosaic.version = 14 : i64} {
  func.func @_k2_body(%arg0: i32, %arg1: memref<2x5000x16xf32, #tpu.memory_space<vmem>>, %arg2: memref<5000x16xf32, #tpu.memory_space<vmem>>, %arg3: memref<5000x1xf32, #tpu.memory_space<vmem>>, %arg4: memref<16x16xf32, #tpu.memory_space<vmem>>, %arg5: memref<1x16xf32, #tpu.memory_space<vmem>>, %arg6: memref<5000x16xf32, #tpu.memory_space<vmem>>) attributes {dimension_semantics = [#tpu.dimension_semantics<arbitrary>], iteration_bounds = array<i64: 20>, scalar_prefetch = 0 : i64, scratch_operands = 0 : i64, tpu.core_type = #tpu.core_type<tc>, window_params = [{transform_indices = @transform_0, window_bounds = array<i64: 2, 5000, 16>}, {transform_indices = @transform_1, window_bounds = array<i64: 5000, 16>}, {transform_indices = @transform_2, window_bounds = array<i64: 5000, 1>}, {pipeline_mode = #tpu.pipeline_mode<synchronous>, transform_indices = @transform_3, window_bounds = array<i64: 16, 16>}, {pipeline_mode = #tpu.pipeline_mode<synchronous>, transform_indices = @transform_4, window_bounds = array<i64: 1, 16>}, {transform_indices = @transform_5, window_bounds = array<i64: 5000, 16>}]} {
    %get3A = arith.constant 0 : index
    %get3A_0 = arith.constant 0 : index
    %get3A_1 = vector.load %arg3[%get3A, %get3A_0] : memref<5000x1xf32, #tpu.memory_space<vmem>>, vector<5000x1xf32>
    %get3A_2 = arith.constant 0 : index
    %get3A_3 = arith.constant 0 : index
    %get3A_4 = arith.constant 0 : index
    %get3A_5 = vector.load %arg1[%get3A_2, %get3A_3, %get3A_4] : memref<2x5000x16xf32, #tpu.memory_space<vmem>>, vector<1x5000x16xf32>
    %get3A_6 = vector.shape_cast %get3A_5 : vector<1x5000x16xf32> to vector<5000x16xf32>
    %get3A_7 = arith.constant 1 : index
    %get3A_8 = arith.constant 0 : index
    %get3A_9 = arith.constant 0 : index
    %get3A_10 = vector.load %arg1[%get3A_7, %get3A_8, %get3A_9] : memref<2x5000x16xf32, #tpu.memory_space<vmem>>, vector<1x5000x16xf32>
    %get3A_11 = vector.shape_cast %get3A_10 : vector<1x5000x16xf32> to vector<5000x16xf32>
    %add3A = arith.addf %get3A_6, %get3A_11 : vector<5000x16xf32>
    %get3A_12 = arith.constant 0 : index
    %get3A_13 = arith.constant 0 : index
    %get3A_14 = vector.load %arg2[%get3A_12, %get3A_13] : memref<5000x16xf32, #tpu.memory_space<vmem>>, vector<5000x16xf32>
    %add3A_15 = arith.addf %add3A, %get3A_14 : vector<5000x16xf32>
    %mul3A = vector.broadcast %get3A_1 : vector<5000x1xf32> to vector<5000x16xf32>
    %mul3A_16 = arith.mulf %mul3A, %add3A_15 : vector<5000x16xf32>
    %get3A_17 = arith.constant 0 : index
    %get3A_18 = arith.constant 0 : index
    %get3A_19 = vector.load %arg5[%get3A_17, %get3A_18] : memref<1x16xf32, #tpu.memory_space<vmem>>, vector<1x16xf32>
    %add3A_20 = vector.broadcast %get3A_19 : vector<1x16xf32> to vector<5000x16xf32>
    %add3A_21 = arith.addf %mul3A_16, %add3A_20 : vector<5000x16xf32>
    %max3A = arith.constant 0.000000e+00 : f32
    %max3A_22 = vector.broadcast %max3A : f32 to vector<5000x16xf32>
    %max3A_23 = arith.maximumf %add3A_21, %max3A_22 : vector<5000x16xf32>
    %get3A_24 = arith.constant 0 : index
    %get3A_25 = arith.constant 0 : index
    %get3A_26 = vector.load %arg4[%get3A_24, %get3A_25] : memref<16x16xf32, #tpu.memory_space<vmem>>, vector<16x16xf32>
    %dot_general3A = arith.constant dense<0.000000e+00> : vector<5000x16xf32>
    %dot_general3A_27 = tpu.matmul %max3A_23, %get3A_26, %dot_general3A {dimension_numbers = #tpu.dot_dimension_numbers<[1], [0], [0], [1], [0, 0, 1, 1], [], []>, transpose_lhs_hint = false} : vector<5000x16xf32>, vector<16x16xf32>, vector<5000x16xf32> -> vector<5000x16xf32>
    %mul3A_28 = vector.broadcast %get3A_1 : vector<5000x1xf32> to vector<5000x16xf32>
    %mul3A_29 = arith.mulf %mul3A_28, %dot_general3A_27 : vector<5000x16xf32>
    %swap3A = arith.constant 0 : index
    %swap3A_30 = arith.constant 0 : index
    %swap3A_31 = vector.load %arg6[%swap3A, %swap3A_30] : memref<5000x16xf32, #tpu.memory_space<vmem>>, vector<5000x16xf32>
    tpu.vector_store %arg6[%swap3A, %swap3A_30], %mul3A_29 {strides = array<i32>} : memref<5000x16xf32, #tpu.memory_space<vmem>>, vector<5000x16xf32>,
    return
  }
  func.func @transform_0(%arg0: i32) -> (i32, i32, i32) {
    %c0_i32 = arith.constant 0 : i32
    %c0_i32_0 = arith.constant 0 : i32
    %c0_i32_1 = arith.constant 0 : i32
    return %c0_i32, %arg0, %c0_i32_0 : i32, i32, i32
  }
  func.func @transform_1(%arg0: i32) -> (i32, i32) {
    %c0_i32 = arith.constant 0 : i32
    %c0_i32_0 = arith.constant 0 : i32
    return %arg0, %c0_i32 : i32, i32
  }
  func.func @transform_2(%arg0: i32) -> (i32, i32) {
    %c0_i32 = arith.constant 0 : i32
    %c0_i32_0 = arith.constant 0 : i32
    return %arg0, %c0_i32 : i32, i32
  }
  func.func @transform_3(%arg0: i32) -> (i32, i32) {
    %c0_i32 = arith.constant 0 : i32
    %c0_i32_0 = arith.constant 0 : i32
    %c0_i32_1 = arith.constant 0 : i32
    return %c0_i32, %c0_i32_0 : i32, i32
  }
  func.func @transform_4(%arg0: i32) -> (i32, i32) {
    %c0_i32 = arith.constant 0 : i32
    %c0_i32_0 = arith.constant 0 : i32
    %c0_i32_1 = arith.constant 0 : i32
    return %c0_i32, %c0_i32_0 : i32, i32
  }
  func.func @transform_5(%arg0: i32) -> (i32, i32) {
    %c0_i32 = arith.constant 0 : i32
    %c0_i32_0 = arith.constant 0 : i32
    return %arg0, %c0_i32 : i32, i32
  }
}

module attributes {stable_mosaic.version = 14 : i64} {
  func.func @_k3_body(%arg0: i32, %arg1: memref<2x5000x16xf32, #tpu.memory_space<vmem>>, %arg2: memref<5000x16xf32, #tpu.memory_space<vmem>>, %arg3: memref<5000x1xf32, #tpu.memory_space<vmem>>, %arg4: memref<1x16xf32, #tpu.memory_space<vmem>>, %arg5: memref<16x18xf32, #tpu.memory_space<vmem>>, %arg6: memref<1x18xf32, #tpu.memory_space<vmem>>, %arg7: memref<5000x18xf32, #tpu.memory_space<vmem>>) attributes {dimension_semantics = [#tpu.dimension_semantics<arbitrary>], iteration_bounds = array<i64: 20>, scalar_prefetch = 0 : i64, scratch_operands = 0 : i64, tpu.core_type = #tpu.core_type<tc>, window_params = [{transform_indices = @transform_0, window_bounds = array<i64: 2, 5000, 16>}, {transform_indices = @transform_1, window_bounds = array<i64: 5000, 16>}, {transform_indices = @transform_2, window_bounds = array<i64: 5000, 1>}, {pipeline_mode = #tpu.pipeline_mode<synchronous>, transform_indices = @transform_3, window_bounds = array<i64: 1, 16>}, {pipeline_mode = #tpu.pipeline_mode<synchronous>, transform_indices = @transform_4, window_bounds = array<i64: 16, 18>}, {pipeline_mode = #tpu.pipeline_mode<synchronous>, transform_indices = @transform_5, window_bounds = array<i64: 1, 18>}, {transform_indices = @transform_6, window_bounds = array<i64: 5000, 18>}]} {
    %get3A = arith.constant 0 : index
    %get3A_0 = arith.constant 0 : index
    %get3A_1 = vector.load %arg3[%get3A, %get3A_0] : memref<5000x1xf32, #tpu.memory_space<vmem>>, vector<5000x1xf32>
    %get3A_2 = arith.constant 0 : index
    %get3A_3 = arith.constant 0 : index
    %get3A_4 = arith.constant 0 : index
    %get3A_5 = vector.load %arg1[%get3A_2, %get3A_3, %get3A_4] : memref<2x5000x16xf32, #tpu.memory_space<vmem>>, vector<1x5000x16xf32>
    %get3A_6 = vector.shape_cast %get3A_5 : vector<1x5000x16xf32> to vector<5000x16xf32>
    %get3A_7 = arith.constant 1 : index
    %get3A_8 = arith.constant 0 : index
    %get3A_9 = arith.constant 0 : index
    %get3A_10 = vector.load %arg1[%get3A_7, %get3A_8, %get3A_9] : memref<2x5000x16xf32, #tpu.memory_space<vmem>>, vector<1x5000x16xf32>
    %get3A_11 = vector.shape_cast %get3A_10 : vector<1x5000x16xf32> to vector<5000x16xf32>
    %add3A = arith.addf %get3A_6, %get3A_11 : vector<5000x16xf32>
    %get3A_12 = arith.constant 0 : index
    %get3A_13 = arith.constant 0 : index
    %get3A_14 = vector.load %arg2[%get3A_12, %get3A_13] : memref<5000x16xf32, #tpu.memory_space<vmem>>, vector<5000x16xf32>
    %add3A_15 = arith.addf %add3A, %get3A_14 : vector<5000x16xf32>
    %mul3A = vector.broadcast %get3A_1 : vector<5000x1xf32> to vector<5000x16xf32>
    %mul3A_16 = arith.mulf %mul3A, %add3A_15 : vector<5000x16xf32>
    %get3A_17 = arith.constant 0 : index
    %get3A_18 = arith.constant 0 : index
    %get3A_19 = vector.load %arg4[%get3A_17, %get3A_18] : memref<1x16xf32, #tpu.memory_space<vmem>>, vector<1x16xf32>
    %add3A_20 = vector.broadcast %get3A_19 : vector<1x16xf32> to vector<5000x16xf32>
    %add3A_21 = arith.addf %mul3A_16, %add3A_20 : vector<5000x16xf32>
    %max3A = arith.constant 0.000000e+00 : f32
    %max3A_22 = vector.broadcast %max3A : f32 to vector<5000x16xf32>
    %max3A_23 = arith.maximumf %add3A_21, %max3A_22 : vector<5000x16xf32>
    %get3A_24 = arith.constant 0 : index
    %get3A_25 = arith.constant 0 : index
    %get3A_26 = vector.load %arg5[%get3A_24, %get3A_25] : memref<16x18xf32, #tpu.memory_space<vmem>>, vector<16x18xf32>
    %dot_general3A = arith.constant dense<0.000000e+00> : vector<5000x18xf32>
    %dot_general3A_27 = tpu.matmul %max3A_23, %get3A_26, %dot_general3A {dimension_numbers = #tpu.dot_dimension_numbers<[1], [0], [0], [1], [0, 0, 1, 1], [], []>, transpose_lhs_hint = false} : vector<5000x16xf32>, vector<16x18xf32>, vector<5000x18xf32> -> vector<5000x18xf32>
    %get3A_28 = arith.constant 0 : index
    %get3A_29 = arith.constant 0 : index
    %get3A_30 = vector.load %arg6[%get3A_28, %get3A_29] : memref<1x18xf32, #tpu.memory_space<vmem>>, vector<1x18xf32>
    %add3A_31 = vector.broadcast %get3A_30 : vector<1x18xf32> to vector<5000x18xf32>
    %add3A_32 = arith.addf %dot_general3A_27, %add3A_31 : vector<5000x18xf32>
    %reduce_max3A = arith.constant dense<0xFF800000> : vector<5000xf32>
    %reduce_max3A_33 = vector.multi_reduction <maximumf>, %add3A_32, %reduce_max3A [1] : vector<5000x18xf32> to vector<5000xf32>
    %broadcast_in_dim3A = vector.shape_cast %reduce_max3A_33 : vector<5000xf32> to vector<5000x1xf32>
    %sub3A = vector.broadcast %broadcast_in_dim3A : vector<5000x1xf32> to vector<5000x18xf32>
    %sub3A_34 = arith.subf %add3A_32, %sub3A : vector<5000x18xf32>
    %exp3A = math.exp %sub3A_34 : vector<5000x18xf32>
    %reduce_sum3A = arith.constant dense<0.000000e+00> : vector<5000xf32>
    %reduce_sum3A_35 = vector.multi_reduction <add>, %exp3A, %reduce_sum3A [1] : vector<5000x18xf32> to vector<5000xf32>
    %broadcast_in_dim3A_36 = vector.shape_cast %reduce_sum3A_35 : vector<5000xf32> to vector<5000x1xf32>
    %log3A = math.log %broadcast_in_dim3A_36 : vector<5000x1xf32>
    %add3A_37 = arith.addf %broadcast_in_dim3A, %log3A : vector<5000x1xf32>
    %sub3A_38 = vector.broadcast %add3A_37 : vector<5000x1xf32> to vector<5000x18xf32>
    %sub3A_39 = arith.subf %add3A_32, %sub3A_38 : vector<5000x18xf32>
    %swap3A = arith.constant 0 : index
    %swap3A_40 = arith.constant 0 : index
    %swap3A_41 = vector.load %arg7[%swap3A, %swap3A_40] : memref<5000x18xf32, #tpu.memory_space<vmem>>, vector<5000x18xf32>
    tpu.vector_store %arg7[%swap3A, %swap3A_40], %sub3A_39 {strides = array<i32>} : memref<5000x18xf32, #tpu.memory_space<vmem>>, vector<5000x18xf32>,
    return
  }
  func.func @transform_0(%arg0: i32) -> (i32, i32, i32) {
    %c0_i32 = arith.constant 0 : i32
    %c0_i32_0 = arith.constant 0 : i32
    %c0_i32_1 = arith.constant 0 : i32
    return %c0_i32, %arg0, %c0_i32_0 : i32, i32, i32
  }
  func.func @transform_1(%arg0: i32) -> (i32, i32) {
    %c0_i32 = arith.constant 0 : i32
    %c0_i32_0 = arith.constant 0 : i32
    return %arg0, %c0_i32 : i32, i32
  }
  func.func @transform_2(%arg0: i32) -> (i32, i32) {
    %c0_i32 = arith.constant 0 : i32
    %c0_i32_0 = arith.constant 0 : i32
    return %arg0, %c0_i32 : i32, i32
  }
  func.func @transform_3(%arg0: i32) -> (i32, i32) {
    %c0_i32 = arith.constant 0 : i32
    %c0_i32_0 = arith.constant 0 : i32
    %c0_i32_1 = arith.constant 0 : i32
    return %c0_i32, %c0_i32_0 : i32, i32
  }
  func.func @transform_4(%arg0: i32) -> (i32, i32) {
    %c0_i32 = arith.constant 0 : i32
    %c0_i32_0 = arith.constant 0 : i32
    %c0_i32_1 = arith.constant 0 : i32
    return %c0_i32, %c0_i32_0 : i32, i32
  }
  func.func @transform_5(%arg0: i32) -> (i32, i32) {
    %c0_i32 = arith.constant 0 : i32
    %c0_i32_0 = arith.constant 0 : i32
    %c0_i32_1 = arith.constant 0 : i32
    return %c0_i32, %c0_i32_0 : i32, i32
  }
  func.func @transform_6(%arg0: i32) -> (i32, i32) {
    %c0_i32 = arith.constant 0 : i32
    %c0_i32_0 = arith.constant 0 : i32
    return %arg0, %c0_i32 : i32, i32
  }
}

</mosaic_0001>

<sc_bundles>
// kernel: kernel.11.cloned.1.call-start
scs
__scs_entry_jumppad:
0x0: {  	(pc) =	sbr.rel $0x88, $3  }
0x1: {  	(tag) =	ssettag $0x0;
	lr =	simm.s32 $0x1  }
0x2: {  	[smem:$0x3F97] =	sst lr;
	_ =	strace $0xD0000000  }
0x3: {  	_ = 	snop  }
0x4: {  	_ = 	snop  }
0x5: {  	_ = 	snop  }
0x6: {  	_ = 	snop  }
0x7: {  	_ = 	snop  }
__scs_overlays_trampoline_lowered:
0x8: {  	[smem:$0x3FA6] =	sst s0  }
0x9: {  	[smem:$0x3FA7] =	sst s1  }
0xa: {  	[smem:$0x3FA8] =	sst s2  }
0xb: {  	[smem:$0x3FA9] =	sst s3  }
0xc: {  	[smem:$0x3FAA] =	sst s4  }
0xd: {  	[smem:$0x3FAB] =	sst s5  }
0xe: {  	[smem:$0x3FAC] =	sst s6  }
0xf: {  	[smem:$0x3FAD] =	sst s7  }
0x10: {  	[smem:$0x3FAE] =	sst s8  }
0x11: {  	[smem:$0x3FAF] =	sst s9;
	s0 =	simm.s32 @!p0 $0x0  }
0x12: {  	s1 =	sld [smem:$0x3F95];
	s0 =	simm.s32 @p0 $0x1  }
0x13: {  	[smem:$0x3FB0] =	sst s0;
	s0 =	simm.s32 @!p1 $0x0  }
0x14: {  	s2 =	sld [smem:$0x3F94];
	s0 =	simm.s32 @p1 $0x1  }
0x15: {  	[smem:$0x3FB1] =	sst s0;
	s0 =	simm.s32 @!p2 $0x0  }
0x16: {  	s3 =	sld [smem:$0x3FDB];
	s0 =	simm.s32 @p2 $0x1  }
0x17: {  	s4 =	simm.s32 $0x1BF5;
	[smem:$0x3FB3] =	sst s0  }
0x18: {  	s0 =	sld [smem:$0x3F96];
	_ =	swait.ge [sflag:s4], $0x0  }
0x19: {  	s7 =	sld [smem:$0x3F97]  }
0x1a: {  	s8 =	sadd.s32 $0xFFFFE003, lr  }
0x1b: {  	s9 =	sadd.s32 $0xFFFFFEF7, lr;
	s5 =	simm.s32 $0xFFFFFFFF;
	p2 =	slt.u32 s8, $0xFFFFF086  }
0x1c: {  	p1 =	slt.u32 s9, $0xF7A;
	s5 =	simm.s32 @!p2 $0x0  }
0x1d: {  	s5 =	simm.s32 @p1 $0x1;
	p0 =	seq.s32 s7, s2  }
0x1e: {  	s7 =	smul.u32 @!p0 $0xF7A, s2;
	p2 =	seq.s32 @!p0 s5, $0x0  }
0x1f: {  	s9 =	smul.u32 $0xF7A, s1;
	s8 =	simm.s32 @!p0 $0x1BF5;
	p2 =	por !p2, p0  }
0x20: {  	[sflag:s8] =	ssyncset.s32 @!p0 $0xFFFFF086;
	s6 =	sadd.s32 @!p0 s3, s7;
	s7 =	simm.s32 @!p0 $0x108  }
0x21: {  	s3 =	sadd.s32 s3, s9;
	s6 =	sadd.s32 @!p0 $0x88, s6;
	s7 =	simm.s32 @p2 $0x1082  }
0x22: {  	[simem:s7], [sflag:s8] =	dma.local @!p0 [hbm:s6], $0xF7A  }
0x23: {  	s9 =	sor.u32 $0xD0000000, s2;
	s6 =	simm.s32 $0x108;
	_ =	swait.ge @!p0 [sflag:s8], $0x0  }
0x24: {  	s3 =	sadd.s32 $0x88, s3;
	s6 =	simm.s32 @!p1 $0x1082;
	[sflag:s4] =	ssyncset.s32 $0xFFFFF086  }
0x25: {  	[simem:s6], [sflag:s4] =	dma.local [hbm:s3], $0xF7A  }
0x26: {  	[smem:$0x3F97] =	sst s1;
	(tag) =	ssettag s2;
	_ =	strace s9  }
0x27: {  	s1 =	sld [smem:$0x3FA7]  }
0x28: {  	s2 =	sld [smem:$0x3FA8]  }
0x29: {  	s4 =	sld [smem:$0x3FAA]  }
0x2a: {  	p0 =	seq.s32 s5, $0x0;
	s5 =	sld [smem:$0x3FAB]  }
0x2b: {  	s6 =	sld [smem:$0x3FAC]  }
0x2c: {  	s7 =	sld [smem:$0x3FAD]  }
0x2d: {  	s3 =	simm.s32 $0x108;
	s8 =	sld [smem:$0x3FAE]  }
0x2e: {  	s3 =	simm.s32 @!p0 $0x1082;
	s9 =	sld [smem:$0x3FAF]  }
0x2f: {  	lr =	sadd.s32 s0, s3;
	s0 =	sld [smem:$0x3FA6]  }
0x30: {  	s3 =	sld [smem:$0x3FA9]  }
0x31: {  	[smem:$0x3FB2] =	sst s10  }
0x32: {  	s10 =	sld [smem:$0x3FB0];
	_ =	sdelay $0x3  }
0x33: {  	p0 =	seq.s32 s10, $0x1;
	s10 =	sld [smem:$0x3FB2];
	_ =	sdelay $0x3  }
0x34: {  	[smem:$0x3FB2] =	sst s10  }
0x35: {  	s10 =	sld [smem:$0x3FB1];
	_ =	sdelay $0x3  }
0x36: {  	p1 =	seq.s32 s10, $0x1;
	s10 =	sld [smem:$0x3FB2];
	_ =	sdelay $0x3  }
0x37: {  	[smem:$0x3FB2] =	sst s10  }
0x38: {  	s10 =	sld [smem:$0x3FB3]  }
0x39: {  	_ = 	snop;
	(pc) =	sbr.ind lr, $3  }
0x3a: {  	_ = 	snop  }
0x3b: {  	_ = 	snop  }
0x3c: {  	p2 =	seq.s32 s10, $0x1;
	s10 =	sld [smem:$0x3FB2]  }
0x3d: {  	_ =	shalt  }
0x3e: {  	_ =	shalt  }
0x3f: {  	_ =	shalt  }
0x40: {  	_ =	shalt  }
0x41: {  	_ =	shalt  }
0x42: {  	_ =	shalt  }
0x43: {  	_ =	shalt  }
0x44: {  	_ =	shalt  }
0x45: {  	_ =	shalt  }
0x46: {  	_ =	shalt  }
0x47: {  	_ =	shalt  }
0x48: {  	_ =	shalt  }
0x49: {  	_ =	shalt  }
0x4a: {  	_ =	shalt  }
0x4b: {  	_ =	shalt  }
0x4c: {  	_ =	shalt  }
0x4d: {  	_ =	shalt  }
0x4e: {  	_ =	shalt  }
0x4f: {  	_ =	shalt  }
0x50: {  	_ =	shalt  }
0x51: {  	_ =	shalt  }
0x52: {  	_ =	shalt  }
0x53: {  	_ =	shalt  }
0x54: {  	_ =	shalt  }
0x55: {  	_ =	shalt  }
0x56: {  	_ =	shalt  }
0x57: {  	_ =	shalt  }
0x58: {  	_ =	shalt  }
0x59: {  	_ =	shalt  }
0x5a: {  	_ =	shalt  }
0x5b: {  	_ =	shalt  }
0x5c: {  	_ =	shalt  }
0x5d: {  	_ =	shalt  }
0x5e: {  	_ =	shalt  }
0x5f: {  	_ =	shalt  }
0x60: {  	_ =	shalt  }
0x61: {  	_ =	shalt  }
0x62: {  	_ =	shalt  }
0x63: {  	_ =	shalt  }
0x64: {  	_ =	shalt  }
0x65: {  	_ =	shalt  }
0x66: {  	_ =	shalt  }
0x67: {  	_ =	shalt  }
0x68: {  	_ =	shalt  }
0x69: {  	_ =	shalt  }
0x6a: {  	_ =	shalt  }
0x6b: {  	_ =	shalt  }
0x6c: {  	_ =	shalt  }
0x6d: {  	_ =	shalt  }
0x6e: {  	_ =	shalt  }
0x6f: {  	_ =	shalt  }
0x70: {  	_ =	shalt  }
0x71: {  	_ =	shalt  }
0x72: {  	_ =	shalt  }
0x73: {  	_ =	shalt  }
0x74: {  	_ =	shalt  }
0x75: {  	_ =	shalt  }
0x76: {  	_ =	shalt  }
0x77: {  	_ =	shalt  }
0x78: {  	_ =	shalt  }
0x79: {  	_ =	shalt  }
0x7a: {  	_ =	shalt  }
0x7b: {  	_ =	shalt  }
0x7c: {  	_ =	shalt  }
0x7d: {  	_ =	shalt  }
0x7e: {  	_ =	shalt  }
0x7f: {  	_ =	shalt  }
0x80: {  	_ =	shalt  }
0x81: {  	_ =	shalt  }
0x82: {  	_ =	shalt  }
0x83: {  	_ =	shalt  }
0x84: {  	_ =	shalt  }
0x85: {  	_ =	shalt  }
0x86: {  	_ =	shalt  }
0x87: {  	_ =	shalt  }
.Lfunc_end0:
.L_simem_size_0:
called_computation.1_lowered:
.L_overlay_start_0:
0x88: {  	s2 =	sld [smem:$0x3FD9]  }
0x89: {  	s3 =	sld [smem:$0x3FFE];
	_ =	sdelay $0x1  }
0x8a: {  	s1 =	srdreg.scid  }
0x8b: {  	s0 =	sand.u32 $0x1, s1  }
0x8c: {  	s17 =	sshll.u32 s0, $0xA;
	s2 =	sadd.s32 s3, s2  }
0x8d: {  	s2 =	sadd.s32 s2, s17  }
0x8e: {  	[smem:$0x3FBE] =	sst s2  }
0x8f: {  	_ = 	snop  }
0x90: {  	s2 =	sld [smem:$0x3FD0];
	(tm) =	ssettm $0x1  }
0x91: {  	s18 =	sld [smem:$0x3FFB];
	_ =	sdelay $0x3  }
0x92: {  	_ =	strace s18  }
0x93: {  	s3 =	sld [smem:$0x3FFC];
	_ =	sdelay $0x3  }
0x94: {  	_ =	strace s3  }
0x95: {  	s3 =	sld [smem:$0x3FFD];
	_ =	sdelay $0x3  }
0x96: {  	_ =	strace s3  }
0x97: {  	_ =	strace $0x8FFFFFFF  }
0x98: {  	s19 =	sld [smem:$0x3FDB];
	_ =	sdelay $0x1  }
0x99: {  	s4 =	simm.s32 $_scs_section_size  }
0x9a: {  	s5 =	simm.s32 $_size__tile_overlayer_lowered;
	s6 =	simm.s32 $_tile_overlayer_lowered  }
0x9b: {  	s22 =	simm.s32 $0x1BFF;
	s21 =	sshll.u32 s6, $0x1;
	s3 =	sadd.s32 s4, s19  }
0x9c: {  	s7 =	simm.s32 $0x0;
	s20 =	sshll.u32 s5, $0x1;
	s5 =	sadd.s32 s21, s3  }
0x9d: {  	[timem:s7], [sflag:s22] =	dma.local [hbm:s5], s20  }
0x9e: {  	_ =	swait.ge [sflag:s22], s20  }
0x9f: {  	s4 =	ssub.s32 $0x0, s20;
	[sflag:s22] =	ssyncset.done $0x0  }
0xa0: {  	[sflag:s22] =	ssyncadd.s32 s4;
	_ =	sdelay $0x1  }
0xa1: {  	s23 =	simm.s32 $0x1B8B  }
0xa2: {  	_ =	swait.ge [sflag:s23], $0x1  }
0xa3: {  	[sflag:s23] =	ssyncset.done $0x0  }
0xa4: {  	s25 =	simm.s32 $0x1B8E;
	s24 =	sld [smem:$0x3FFE];
	[sflag:s23] =	ssyncadd.s32 $0xFFFFFFFF  }
0xa5: {  	s26 =	simm.s32 $execute0_lowered;
	[smem:$0x3FD2] =	sst s25  }
0xa6: {  	s5 =	sshll.u32 s26, $0x1;
	_ =	strace $0x80000049;
	[dreg:$0x1] =	wrdreg $0xFFFFFFFF  }
0xa7: {  	s28 =	simm.s32 $_size_execute0_lowered;
	s3 =	sadd.s32 s3, s5;
	[dreg:$0x0] =	wrdreg $0x0  }
0xa8: {  	s5 =	sshll.u32 s28, $0x1;
	[dreg:$0x2] =	wrdreg s3  }
0xa9: {  	[dreg:$0x3] =	wrdreg s5  }
0xaa: {  	[dreg:$0x4] =	wrdreg $0xC0  }
0xab: {  	_ =	task [dreg:s7], $0x5FFFF  }
0xac: {  	[dreg:$0x1] =	wrdreg $0xFFFFFFFF  }
0xad: {  	[dreg:$0x0] =	wrdreg $0x60  }
0xae: {  	[dreg:$0x2] =	wrdreg s2  }
0xaf: {  	[dreg:$0x3] =	wrdreg s24  }
0xb0: {  	[dreg:$0x4] =	wrdreg $0x46500  }
0xb1: {  	[dreg:$0x5] =	wrdreg $0x9  }
0xb2: {  	_ =	task.clear_ibuf [dreg:s7], $0x6FFFF;
	_ =	strace $0x90000049  }
0xb3: {  	s29 =	simm.s32 $0x9;
	_ =	strace $0x8000004B  }
0xb4: {  	_ =	swait.ge [sflag:s29], $0x1  }
0xb5: {  	[sflag:s29] =	ssyncadd.s32 $0xFFFFFFFF  }
0xb6: {  	_ =	strace $0x9000004B  }
0xb7: {  	_ =	sfence  }
0xb8: {  	s30 =	sld [smem:$0x0];
	_ =	sdelay $0x2  }
0xb9: {  	s31 =	sshll.u32 s1, $0xD;
	s1 =	sshrl.u32 s1, $0x2  }
0xba: {  	s3 =	sand.u32 $0x4000, s31;
	s1 =	sadd.s32 s1, s30  }
0xbb: {  	s0 =	sor.u32 s3, s0;
	s1 =	sshll.u32 s1, $0x11  }
0xbc: {  	s0 =	sor.u32 s1, s0  }
0xbd: {  	s0 =	sadd.s32 $0x8F2B, s0  }
0xbe: {  	[sflag:s0] =	ssyncadd.remote.s32 $0x1  }
0xbf: {  	_ =	sfence.sel $0xFFFF  }
0xc0: {  	[dreg:$0x0] =	wrdreg $0xFFFFFFFF;
	(pc) =	sbr.abs _section_cstart, $3  }
0xc1: {  	[dreg:$0x1] =	wrdreg $0xFFFFFFFF  }
0xc2: {  	_ =	task.clear_ibuf [dreg:s7], $0x2FFFF;
	_ =	strace $0x9FFFFFFF  }
0xc3: {  	(tm) =	ssettm $0x7FFFFFFF  }
tec
execute0_lowered:
.L_overlay_start_1:
0x0: {  	(tag) =	ssettag $0x1  }
0x1: {  	s0 =	srdreg.scid;
	s11 =	stileid.u32  }
0x2: {  	s1 =	rddreg [dreg:$0x0];
	s0 =	sand.u32 $0x1, s0;
	s3 =	smul.u32 $0x30D40, s11  }
0x3: {  	s5 =	rddreg [dreg:$0x1];
	s2 =	simm.s32 $0x0;
	s4 =	smul.u32 $0x186A0, s0  }
0x4: {  	s30 =	simm.s32 $0x7D0;
	s7 =	sor.u32 $0x10, s11;
	s6 =	smul.u32 $0x186A00, s0  }
0x5: {  	s31 =	simm.s32 $0x2;
	[smem:$0x7FF] =	sst s2;
	s9 =	smul.u32 $0xFA00, s7  }
0x6: {  	s12 =	sor.u32 $0x20, s11;
	s13 =	sor.u32 $0x30, s11;
	s21 =	smul.u32 $0x3E80, s7  }
0x7: {  	s14 =	sor.u32 $0x40, s11;
	s15 =	sor.u32 $0x50, s11;
	s22 =	smul.u32 $0x3E80, s12  }
0x8: {  	s16 =	sor.u32 $0x60, s11;
	s24 =	ssub.s32 $0x2, s0;
	s23 =	smul.u32 $0x3E80, s13  }
0x9: {  	p0 =	sgt.u32 s16, $0x63;
	s25 =	sshrl.u32 s24, $0x1;
	s3 =	sadd.s32 s4, s3  }
0xa: {  	s4 =	smul.u32 $0x3E80, s11;
	s10 =	sadd.s32 s6, s22;
	s3 =	sshrl.u32 s3, $0x3  }
0xb: {  	s9 =	sshrl.u32 s9, $0x2;
	s0 =	sadd.s32 s3, s5;
	s5 =	sadd.s32 $0xC5800, s5  }
0xc: {  	s3 =	ssub.s32 s24, s25;
	s8 =	sadd.s32 s6, s4;
	s24 =	smul.u32 $0x3E80, s14  }
0xd: {  	s25 =	smul.u32 $0x3E80, s15;
	s26 =	sshrl.u32 s8, $0x3;
	s8 =	sadd.s32 s6, s21  }
0xe: {  	s28 =	sadd.s32 $0x63C00, s0;
	s29 =	sadd.s32 $0x2000, s0;
	s0 =	simm.s32 $0x1  }
0xf: {  	s7 =	sadd.s32 s5, s26;
	s19 =	sadd.s32 s6, s24;
	s20 =	sadd.s32 s6, s25  }
0x10: {  	s26 =	smul.u32 $0x3E80, s16;
	[dreg:$0x4] =	wrdreg s7;
	s7 =	sshrl.u32 s8, $0x3  }
0x11: {  	s8 =	sshrl.u32 s10, $0x3;
	s10 =	sadd.s32 s6, s23;
	s7 =	sadd.s32 s5, s7  }
0x12: {  	s17 =	sadd.s32 s5, s8;
	s18 =	sshrl.u32 s10, $0x3;
	s10 =	rddreg [dreg:$0x2]  }
0x13: {  	s8 =	sshrl.u32 s19, $0x3;
	s6 =	sadd.s32 s6, s26;
	[dreg:$0x5] =	wrdreg s7  }
0x14: {  	s19 =	smul.u32 $0xFA00, s12;
	s12 =	smax.u32 s3, $0x1;
	[dreg:$0x6] =	wrdreg s17  }
0x15: {  	s7 =	sadd.s32 s5, s18;
	s17 =	sshrl.u32 s20, $0x3;
	s6 =	sshrl.u32 s6, $0x3  }
0x16: {  	s21 =	sadd.s32 s21, s10;
	s22 =	sadd.s32 s22, s10;
	s23 =	sadd.s32 s23, s10  }
0x17: {  	s24 =	sadd.s32 s24, s10;
	s25 =	sadd.s32 s25, s10;
	s26 =	sadd.s32 s26, s10  }
0x18: {  	[dreg:$0x7] =	wrdreg s7;
	s18 =	sadd.s32 s5, s17;
	s17 =	smul.u32 $0xFA00, s11  }
0x19: {  	s7 =	sadd.s32 s5, s8;
	s5 =	sadd.s32 s5, s6;
	s8 =	smul.u32 $0xFA00, s14  }
0x1a: {  	s11 =	smul.u32 $0xFA00, s15;
	s14 =	sadd.s32 s9, s10;
	[dreg:$0x8] =	wrdreg s7  }
0x1b: {  	s9 =	simm.s32 $0x3E8;
	[dreg:$0x9] =	wrdreg s18;
	s7 =	smul.u32 $0xFA00, s13  }
0x1c: {  	[dreg:$0xa] =	wrdreg s5;
	s5 =	sshrl.u32 s19, $0x2;
	s18 =	smul.u32 $0xFA00, s16  }
0x1d: {  	_ =	strace $0x8000004A;
	s20 =	sshrl.u32 s17, $0x2;
	s15 =	sadd.s32 s5, s10  }
0x1e: {  	s3 =	sshrl.u32 s8, $0x2;
	s19 =	sshrl.u32 s11, $0x2;
	s13 =	sadd.s32 s20, s10  }
0x1f: {  	s17 =	sshrl.u32 s7, $0x2;
	s20 =	sshrl.u32 s18, $0x2;
	s18 =	sadd.s32 s19, s10  }
0x20: {  	s16 =	sadd.s32 s17, s10;
	s17 =	sadd.s32 s3, s10;
	s19 =	sadd.s32 s20, s10  }
0x21: {  	v0 =	vimm.f32 $0.0e+00;
	s20 =	sadd.s32 s4, s10;
	s3 =	simm.s32 $0x3;
	s4 =	simm.s32 $0x0  }
.LBB2_1:
0x22: {  	s5 =	simm.s32 $0x40;
	s6 =	simm.s32 $0x0  }
.LBB2_2:
0x23: {  	p1 =	sne.s32 s5, $0xF9C0;
	[tilespmem:s6+$0x7D0] =	vst v0;
	s6 =	smov.u32 s5;
	s5 =	sadd.s32 $0x40, s5  }
.Ltmp0:
0x24: {  	(pc) =	sbr.rel @p1 .LBB2_2-.Ltmp0, $2  }
0x25: {  	_ =	sdelay $0x2  }
0x26: {  	s6 =	sshra.s32 s6, $0x2  }
0x27: {  	[tilespmem:s6+$0x7D0] =	vst v0  }
0x28: {  	[spmem:s13] =	stream.linear.scatter [tilespmem:s30], [sflag:$0x2], $0x3E80, $0x38;
	[tilespmem:$0x1CCF0] =	vst v63  }
0x29: {  	_ =	swait.ge [sflag:s31], $0x3E80  }
0x2a: {  	[sflag:s31] =	ssyncset.done $0x0  }
0x2b: {  	[sflag:s31] =	ssyncadd.s32 $0xFFFFC180  }
0x2c: {  	[spmem:s14] =	stream.linear.scatter [tilespmem:s30], [sflag:$0x2], $0x3E80, $0x38;
	[tilespmem:$0x1CCF0] =	vst v63  }
0x2d: {  	_ =	swait.ge [sflag:s31], $0x3E80  }
0x2e: {  	[sflag:s31] =	ssyncset.done $0x0  }
0x2f: {  	[sflag:s31] =	ssyncadd.s32 $0xFFFFC180  }
0x30: {  	[spmem:s15] =	stream.linear.scatter [tilespmem:s30], [sflag:$0x2], $0x3E80, $0x38;
	[tilespmem:$0x1CCF0] =	vst v63  }
0x31: {  	_ =	swait.ge [sflag:s31], $0x3E80  }
0x32: {  	[sflag:s31] =	ssyncset.done $0x0  }
0x33: {  	[sflag:s31] =	ssyncadd.s32 $0xFFFFC180  }
0x34: {  	[spmem:s16] =	stream.linear.scatter [tilespmem:s30], [sflag:$0x2], $0x3E80, $0x38;
	[tilespmem:$0x1CCF0] =	vst v63  }
0x35: {  	_ =	swait.ge [sflag:s31], $0x3E80  }
0x36: {  	[sflag:s31] =	ssyncset.done $0x0  }
0x37: {  	[sflag:s31] =	ssyncadd.s32 $0xFFFFC180  }
0x38: {  	[spmem:s17] =	stream.linear.scatter [tilespmem:s30], [sflag:$0x2], $0x3E80, $0x38;
	[tilespmem:$0x1CCF0] =	vst v63  }
0x39: {  	_ =	swait.ge [sflag:s31], $0x3E80  }
0x3a: {  	[sflag:s31] =	ssyncset.done $0x0  }
0x3b: {  	[sflag:s31] =	ssyncadd.s32 $0xFFFFC180  }
0x3c: {  	[spmem:s18] =	stream.linear.scatter [tilespmem:s30], [sflag:$0x2], $0x3E80, $0x38;
	[tilespmem:$0x1CCF0] =	vst v63  }
0x3d: {  	_ =	swait.ge [sflag:s31], $0x3E80  }
0x3e: {  	[sflag:s31] =	ssyncset.done $0x0  }
0x3f: {  	s5 =	simm.s32 @!p0 $0x7D0;
	[sflag:s31] =	ssyncadd.s32 $0xFFFFC180  }
0x40: {  	[spmem:s19] =	stream.linear.scatter @!p0 [tilespmem:s5], [sflag:$0x2], $0x3E80, $0x38;
	[tilespmem:$0x1CCF0] =	vst v63  }
0x41: {  	s5 =	simm.s32 @!p0 $0x2  }
0x42: {  	_ =	swait.ge @!p0 [sflag:s5], $0x3E80  }
0x43: {  	[sflag:s5] =	ssyncset.done @!p0 $0x0  }
0x44: {  	[sflag:s5] =	ssyncadd.s32 @!p0 $0xFFFFC180  }
0x45: {  	s8 =	sadd.s32 $0x0, s29;
	[bflag:$0x0] =	sbarrier.arrive $0xFFFF  }
0x46: {  	[tilespmem:s2], [sflag:$0x2] =	stream.linear.gather [hbm4b:s8+s2], $0x3E8, $0x38;
	[tilespmem:$0x1CCF0] =	vst v63  }
0x47: {  	_ =	swait.ge [sflag:s31], $0x3E8  }
0x48: {  	[sflag:s31] =	ssyncset.done $0x0  }
0x49: {  	s11 =	sadd.s32 $0x0, s28;
	[sflag:s31] =	ssyncadd.s32 $0xFFFFFC18  }
0x4a: {  	[tilespmem:s9], [sflag:$0x2] =	stream.linear.gather [hbm4b:s11+s2], $0x3E8, $0x38;
	[tilespmem:$0x1CCF0] =	vst v63  }
0x4b: {  	_ =	swait.ge [sflag:s31], $0x3E8  }
0x4c: {  	[sflag:s31] =	ssyncset.done $0x0  }
0x4d: {  	[sflag:s31] =	ssyncadd.s32 $0xFFFFFC18  }
0x4e: {  	[tilespmem:s30], [sflag:$0x1] =	stream.indirect.gather [hbm4b:s1+s9], $0x10, s2, s9, $0xb8;
	[tilespmem:$0x1CCF0] =	vst v63  }
0x4f: {  	_ =	swait.ge [sflag:s0], $0x3E80  }
0x50: {  	[sflag:s0] =	ssyncset.done $0x0  }
0x51: {  	[sflag:s0] =	ssyncadd.s32 $0xFFFFC180  }
0x52: {  	[spmem:s10] =	stream.indirect.scatter.add.f32 [tilespmem:s30], [sflag:$0x2], $0x10, s9, s9, $0xb8;
	[tilespmem:$0x1CCF0] =	vst v63  }
0x53: {  	_ =	swait.ge [sflag:s31], $0x3E80  }
0x54: {  	s6 =	simm.s32 $0xFA;
	s5 =	simm.s32 $0x7D;
	[sflag:s31] =	ssyncset.done $0x0  }
.LBB2_4:
0x55: {  	s7 =	sadd.s32 s5, s29  }
0x56: {  	[sflag:s31] =	ssyncadd.s32 $0xFFFFC180;
	s8 =	smov.u32 s6;
	s11 =	sadd.s32 $0x7D, s6  }
0x57: {  	[tilespmem:s2], [sflag:$0x2] =	stream.linear.gather [hbm4b:s7+s2], $0x3E8, $0x38;
	[tilespmem:$0x1CCF0] =	vst v63  }
0x58: {  	p1 =	sne.s32 s6, $0x3057;
	_ =	swait.ge [sflag:s31], $0x3E8  }
0x59: {  	[sflag:s31] =	ssyncset.done $0x0  }
0x5a: {  	s6 =	sadd.s32 s5, s28;
	s5 =	smov.u32 s8;
	[sflag:s31] =	ssyncadd.s32 $0xFFFFFC18  }
0x5b: {  	[tilespmem:s9], [sflag:$0x2] =	stream.linear.gather [hbm4b:s6+s2], $0x3E8, $0x38;
	[tilespmem:$0x1CCF0] =	vst v63  }
0x5c: {  	_ =	swait.ge [sflag:s31], $0x3E8  }
0x5d: {  	[sflag:s31] =	ssyncset.done $0x0  }
0x5e: {  	[sflag:s31] =	ssyncadd.s32 $0xFFFFFC18  }
0x5f: {  	[tilespmem:s30], [sflag:$0x1] =	stream.indirect.gather [hbm4b:s1+s9], $0x10, s2, s9, $0xb8;
	[tilespmem:$0x1CCF0] =	vst v63  }
0x60: {  	_ =	swait.ge [sflag:s0], $0x3E80  }
.Ltmp1:
0x61: {  	[sflag:s0] =	ssyncset.done $0x0;
	(pc) =	sbr.rel @p1 .LBB2_4-.Ltmp1, $4  }
0x62: {  	[sflag:s0] =	ssyncadd.s32 $0xFFFFC180  }
0x63: {  	[spmem:s10] =	stream.indirect.scatter.add.f32 [tilespmem:s30], [sflag:$0x2], $0x10, s9, s9, $0xb8;
	[tilespmem:$0x1CCF0] =	vst v63  }
0x64: {  	_ =	swait.ge [sflag:s31], $0x3E80  }
0x65: {  	s6 =	smov.u32 s11;
	[sflag:s31] =	ssyncset.done $0x0  }
0x66: {  	s6 =	sadd.s32 s5, s29;
	[sflag:s31] =	ssyncadd.s32 $0xFFFFC180  }
0x67: {  	[tilespmem:s2], [sflag:$0x2] =	stream.linear.gather [hbm4b:s6+s2], $0x3E8, $0x38;
	[tilespmem:$0x1CCF0] =	vst v63  }
0x68: {  	_ =	swait.ge [sflag:s31], $0x3E8  }
0x69: {  	[sflag:s31] =	ssyncset.done $0x0  }
0x6a: {  	s7 =	sadd.s32 s5, s28;
	[sflag:s31] =	ssyncadd.s32 $0xFFFFFC18  }
0x6b: {  	[tilespmem:s9], [sflag:$0x2] =	stream.linear.gather [hbm4b:s7+s2], $0x3E8, $0x38;
	[tilespmem:$0x1CCF0] =	vst v63  }
0x6c: {  	_ =	swait.ge [sflag:s31], $0x3E8  }
0x6d: {  	[sflag:s31] =	ssyncset.done $0x0  }
0x6e: {  	[sflag:s31] =	ssyncadd.s32 $0xFFFFFC18  }
0x6f: {  	[tilespmem:s30], [sflag:$0x1] =	stream.indirect.gather [hbm4b:s1+s9], $0x10, s2, s9, $0xb8;
	[tilespmem:$0x1CCF0] =	vst v63  }
0x70: {  	_ =	swait.ge [sflag:s0], $0x3E80  }
0x71: {  	[sflag:s0] =	ssyncset.done $0x0  }
0x72: {  	[sflag:s0] =	ssyncadd.s32 $0xFFFFC180  }
0x73: {  	[spmem:s10] =	stream.indirect.scatter.add.f32 [tilespmem:s30], [sflag:$0x2], $0x10, s9, s9, $0xb8;
	[tilespmem:$0x1CCF0] =	vst v63  }
0x74: {  	_ =	swait.ge [sflag:s31], $0x3E80  }
0x75: {  	[sflag:s31] =	ssyncset.done $0x0  }
0x76: {  	[sflag:s31] =	ssyncadd.s32 $0xFFFFC180  }
0x77: {  	[bflag:$0x0] =	sbarrier.arrive $0xFFFF  }
0x78: {  	[tilespmem:s30], [sflag:$0x3] =	stream.linear.gather [spmem:s20], $0x3E80, $0x38;
	[tilespmem:$0x1CCF0] =	vst v63  }
0x79: {  	_ =	swait.ge [sflag:s3], $0x3E80  }
0x7a: {  	[sflag:s3] =	ssyncset.done $0x0  }
0x7b: {  	s8 =	rddreg [dreg:$0x4];
	[sflag:s3] =	ssyncadd.s32 $0xFFFFC180  }
0x7c: {  	[hbm4b:s8+s2] =	stream.linear.scatter [tilespmem:s30], [sflag:$0x2], $0x3E80, $0x38;
	[tilespmem:$0x1CCF0] =	vst v63  }
0x7d: {  	_ =	swait.ge [sflag:s31], $0x3E80  }
0x7e: {  	[sflag:s31] =	ssyncset.done $0x0  }
0x7f: {  	[sflag:s31] =	ssyncadd.s32 $0xFFFFC180  }
0x80: {  	[tilespmem:s30], [sflag:$0x3] =	stream.linear.gather [spmem:s21], $0x3E80, $0x38;
	[tilespmem:$0x1CCF0] =	vst v63  }
0x81: {  	_ =	swait.ge [sflag:s3], $0x3E80  }
0x82: {  	[sflag:s3] =	ssyncset.done $0x0  }
0x83: {  	s11 =	rddreg [dreg:$0x5];
	[sflag:s3] =	ssyncadd.s32 $0xFFFFC180  }
0x84: {  	[hbm4b:s11+s2] =	stream.linear.scatter [tilespmem:s30], [sflag:$0x2], $0x3E80, $0x38;
	[tilespmem:$0x1CCF0] =	vst v63  }
0x85: {  	_ =	swait.ge [sflag:s31], $0x3E80  }
0x86: {  	[sflag:s31] =	ssyncset.done $0x0  }
0x87: {  	[sflag:s31] =	ssyncadd.s32 $0xFFFFC180  }
0x88: {  	[tilespmem:s30], [sflag:$0x3] =	stream.linear.gather [spmem:s22], $0x3E80, $0x38;
	[tilespmem:$0x1CCF0] =	vst v63  }
0x89: {  	_ =	swait.ge [sflag:s3], $0x3E80  }
0x8a: {  	[sflag:s3] =	ssyncset.done $0x0  }
0x8b: {  	s6 =	rddreg [dreg:$0x6];
	[sflag:s3] =	ssyncadd.s32 $0xFFFFC180  }
0x8c: {  	[hbm4b:s6+s2] =	stream.linear.scatter [tilespmem:s30], [sflag:$0x2], $0x3E80, $0x38;
	[tilespmem:$0x1CCF0] =	vst v63  }
0x8d: {  	_ =	swait.ge [sflag:s31], $0x3E80  }
0x8e: {  	[sflag:s31] =	ssyncset.done $0x0  }
0x8f: {  	[sflag:s31] =	ssyncadd.s32 $0xFFFFC180  }
0x90: {  	[tilespmem:s30], [sflag:$0x3] =	stream.linear.gather [spmem:s23], $0x3E80, $0x38;
	[tilespmem:$0x1CCF0] =	vst v63  }
0x91: {  	_ =	swait.ge [sflag:s3], $0x3E80  }
0x92: {  	[sflag:s3] =	ssyncset.done $0x0  }
0x93: {  	s7 =	rddreg [dreg:$0x7];
	[sflag:s3] =	ssyncadd.s32 $0xFFFFC180  }
0x94: {  	[hbm4b:s7+s2] =	stream.linear.scatter [tilespmem:s30], [sflag:$0x2], $0x3E80, $0x38;
	[tilespmem:$0x1CCF0] =	vst v63  }
0x95: {  	_ =	swait.ge [sflag:s31], $0x3E80  }
0x96: {  	[sflag:s31] =	ssyncset.done $0x0  }
0x97: {  	[sflag:s31] =	ssyncadd.s32 $0xFFFFC180  }
0x98: {  	[tilespmem:s30], [sflag:$0x3] =	stream.linear.gather [spmem:s24], $0x3E80, $0x38;
	[tilespmem:$0x1CCF0] =	vst v63  }
0x99: {  	_ =	swait.ge [sflag:s3], $0x3E80  }
0x9a: {  	[sflag:s3] =	ssyncset.done $0x0  }
0x9b: {  	s8 =	rddreg [dreg:$0x8];
	[sflag:s3] =	ssyncadd.s32 $0xFFFFC180  }
0x9c: {  	[hbm4b:s8+s2] =	stream.linear.scatter [tilespmem:s30], [sflag:$0x2], $0x3E80, $0x38;
	[tilespmem:$0x1CCF0] =	vst v63  }
0x9d: {  	_ =	swait.ge [sflag:s31], $0x3E80  }
0x9e: {  	[sflag:s31] =	ssyncset.done $0x0  }
0x9f: {  	[sflag:s31] =	ssyncadd.s32 $0xFFFFC180  }
0xa0: {  	[tilespmem:s30], [sflag:$0x3] =	stream.linear.gather [spmem:s25], $0x3E80, $0x38;
	[tilespmem:$0x1CCF0] =	vst v63  }
0xa1: {  	_ =	swait.ge [sflag:s3], $0x3E80  }
0xa2: {  	[sflag:s3] =	ssyncset.done $0x0  }
0xa3: {  	s11 =	rddreg [dreg:$0x9];
	[sflag:s3] =	ssyncadd.s32 $0xFFFFC180  }
0xa4: {  	[hbm4b:s11+s2] =	stream.linear.scatter [tilespmem:s30], [sflag:$0x2], $0x3E80, $0x38;
	[tilespmem:$0x1CCF0] =	vst v63  }
0xa5: {  	_ =	swait.ge [sflag:s31], $0x3E80  }
0xa6: {  	[sflag:s31] =	ssyncset.done $0x0  }
0xa7: {  	s5 =	simm.s32 @!p0 $0x7D0;
	s6 =	simm.s32 @!p0 $0x3;
	[sflag:s31] =	ssyncadd.s32 $0xFFFFC180  }
0xa8: {  	[tilespmem:s5], [sflag:$0x3] =	stream.linear.gather @!p0 [spmem:s26], $0x3E80, $0x38;
	[tilespmem:$0x1CCF0] =	vst v63  }
0xa9: {  	s4 =	sadd.s32 $0x1, s4;
	_ =	swait.ge @!p0 [sflag:s6], $0x3E80  }
0xaa: {  	p1 =	sne.s32 s4, s12;
	[sflag:s6] =	ssyncset.done @!p0 $0x0  }
0xab: {  	s7 =	rddreg [dreg:$0xa];
	[sflag:s6] =	ssyncadd.s32 @!p0 $0xFFFFC180;
	s6 =	simm.s32 @!p0 $0x0  }
0xac: {  	[hbm4b:s7+s6] =	stream.linear.scatter @!p0 [tilespmem:s5], [sflag:$0x2], $0x3E80, $0x38;
	[tilespmem:$0x1CCF0] =	vst v63  }
.Ltmp2:
0xad: {  	_ = 	snop;
	(pc) =	sbr.rel @p1 .LBB2_1-.Ltmp2, $4  }
0xae: {  	s5 =	simm.s32 @!p0 $0x2  }
0xaf: {  	_ =	swait.ge @!p0 [sflag:s5], $0x3E80  }
0xb0: {  	[sflag:s5] =	ssyncset.done @!p0 $0x0  }
0xb1: {  	[sflag:s5] =	ssyncadd.s32 @!p0 $0xFFFFC180  }
0xb2: {  	_ =	sfence.sel $0x180000  }
0xb3: {  	[bflag:$0x0] =	sbarrier.arrive $0xFFFF  }
0xb4: {  	_ =	strace $0x9000004A  }
0xb5: {  	s0 =	stileid.u32;
	[bflag:$0x2] =	sbarrier.arrive $0xFFFF  }
0xb6: {  	p0 =	sne.s32 s0, $0x0;
	s0 =	rddreg [dreg:$0x3]  }
0xb7: {  	s0 =	sadd.s32 @!p0 $0x100000, s0  }
0xb8: {  	[sflag:s0] =	ssyncadd.tile.s32 @!p0 $0x1;
	_ =	shalt  }
.Lfunc_end2:
_tile_overlayer_lowered:
.L_overlay_start_2:
0xb9: {  	(tag) =	ssettag $0x2  }
0xba: {  	s0 =	rddreg [dreg:$0x0];
	s2 =	stileid.u32  }
0xbb: {  	s1 =	rddreg [dreg:$0x1];
	p0 =	sne.s32 s2, $0x0  }
0xbc: {  	s3 =	rddreg [dreg:$0x2];
	[bflag:$0x3] =	sbarrier.arrive $0xFFFF;
	s2 =	simm.s32 @!p0 $0x1C02  }
0xbd: {  	[timem:s3], [sflag:s2] =	dma.local @!p0 [hbm:s0], s1  }
0xbe: {  	s0 =	simm.s32 @!p0 $0x2  }
0xbf: {  	_ =	swait.ge @!p0 [sflag:s0], s1  }
0xc0: {  	s1 =	ssub.s32 @!p0 $0x0, s1;
	[sflag:s0] =	ssyncset.done @!p0 $0x0  }
0xc1: {  	[sflag:s0] =	ssyncadd.s32 @!p0 s1  }
0xc2: {  	[bflag:$0x3] =	sbarrier.arrive $0xFFFF  }
0xc3: {  	_ =	shalt  }

// kernel: kernel.14.cloned.1.call-start
scs
__scs_entry_jumppad:
0x0: {  	(pc) =	sbr.rel $0x88, $3  }
0x1: {  	(tag) =	ssettag $0x0;
	lr =	simm.s32 $0x1  }
0x2: {  	[smem:$0x3F97] =	sst lr;
	_ =	strace $0xD0000000  }
0x3: {  	_ = 	snop  }
0x4: {  	_ = 	snop  }
0x5: {  	_ = 	snop  }
0x6: {  	_ = 	snop  }
0x7: {  	_ = 	snop  }
__scs_overlays_trampoline_lowered:
0x8: {  	[smem:$0x3FA6] =	sst s0  }
0x9: {  	[smem:$0x3FA7] =	sst s1  }
0xa: {  	[smem:$0x3FA8] =	sst s2  }
0xb: {  	[smem:$0x3FA9] =	sst s3  }
0xc: {  	[smem:$0x3FAA] =	sst s4  }
0xd: {  	[smem:$0x3FAB] =	sst s5  }
0xe: {  	[smem:$0x3FAC] =	sst s6  }
0xf: {  	[smem:$0x3FAD] =	sst s7  }
0x10: {  	[smem:$0x3FAE] =	sst s8  }
0x11: {  	[smem:$0x3FAF] =	sst s9;
	s0 =	simm.s32 @!p0 $0x0  }
0x12: {  	s1 =	sld [smem:$0x3F95];
	s0 =	simm.s32 @p0 $0x1  }
0x13: {  	[smem:$0x3FB0] =	sst s0;
	s0 =	simm.s32 @!p1 $0x0  }
0x14: {  	s2 =	sld [smem:$0x3F94];
	s0 =	simm.s32 @p1 $0x1  }
0x15: {  	[smem:$0x3FB1] =	sst s0;
	s0 =	simm.s32 @!p2 $0x0  }
0x16: {  	s3 =	sld [smem:$0x3FDB];
	s0 =	simm.s32 @p2 $0x1  }
0x17: {  	s4 =	simm.s32 $0x1BF5;
	[smem:$0x3FB3] =	sst s0  }
0x18: {  	s0 =	sld [smem:$0x3F96];
	_ =	swait.ge [sflag:s4], $0x0  }
0x19: {  	s7 =	sld [smem:$0x3F97]  }
0x1a: {  	s8 =	sadd.s32 $0xFFFFE003, lr  }
0x1b: {  	s9 =	sadd.s32 $0xFFFFFEF7, lr;
	s5 =	simm.s32 $0xFFFFFFFF;
	p2 =	slt.u32 s8, $0xFFFFF086  }
0x1c: {  	p1 =	slt.u32 s9, $0xF7A;
	s5 =	simm.s32 @!p2 $0x0  }
0x1d: {  	s5 =	simm.s32 @p1 $0x1;
	p0 =	seq.s32 s7, s2  }
0x1e: {  	s7 =	smul.u32 @!p0 $0xF7A, s2;
	p2 =	seq.s32 @!p0 s5, $0x0  }
0x1f: {  	s9 =	smul.u32 $0xF7A, s1;
	s8 =	simm.s32 @!p0 $0x1BF5;
	p2 =	por !p2, p0  }
0x20: {  	[sflag:s8] =	ssyncset.s32 @!p0 $0xFFFFF086;
	s6 =	sadd.s32 @!p0 s3, s7;
	s7 =	simm.s32 @!p0 $0x108  }
0x21: {  	s3 =	sadd.s32 s3, s9;
	s6 =	sadd.s32 @!p0 $0x88, s6;
	s7 =	simm.s32 @p2 $0x1082  }
0x22: {  	[simem:s7], [sflag:s8] =	dma.local @!p0 [hbm:s6], $0xF7A  }
0x23: {  	s9 =	sor.u32 $0xD0000000, s2;
	s6 =	simm.s32 $0x108;
	_ =	swait.ge @!p0 [sflag:s8], $0x0  }
0x24: {  	s3 =	sadd.s32 $0x88, s3;
	s6 =	simm.s32 @!p1 $0x1082;
	[sflag:s4] =	ssyncset.s32 $0xFFFFF086  }
0x25: {  	[simem:s6], [sflag:s4] =	dma.local [hbm:s3], $0xF7A  }
0x26: {  	[smem:$0x3F97] =	sst s1;
	(tag) =	ssettag s2;
	_ =	strace s9  }
0x27: {  	s1 =	sld [smem:$0x3FA7]  }
0x28: {  	s2 =	sld [smem:$0x3FA8]  }
0x29: {  	s4 =	sld [smem:$0x3FAA]  }
0x2a: {  	p0 =	seq.s32 s5, $0x0;
	s5 =	sld [smem:$0x3FAB]  }
0x2b: {  	s6 =	sld [smem:$0x3FAC]  }
0x2c: {  	s7 =	sld [smem:$0x3FAD]  }
0x2d: {  	s3 =	simm.s32 $0x108;
	s8 =	sld [smem:$0x3FAE]  }
0x2e: {  	s3 =	simm.s32 @!p0 $0x1082;
	s9 =	sld [smem:$0x3FAF]  }
0x2f: {  	lr =	sadd.s32 s0, s3;
	s0 =	sld [smem:$0x3FA6]  }
0x30: {  	s3 =	sld [smem:$0x3FA9]  }
0x31: {  	[smem:$0x3FB2] =	sst s10  }
0x32: {  	s10 =	sld [smem:$0x3FB0];
	_ =	sdelay $0x3  }
0x33: {  	p0 =	seq.s32 s10, $0x1;
	s10 =	sld [smem:$0x3FB2];
	_ =	sdelay $0x3  }
0x34: {  	[smem:$0x3FB2] =	sst s10  }
0x35: {  	s10 =	sld [smem:$0x3FB1];
	_ =	sdelay $0x3  }
0x36: {  	p1 =	seq.s32 s10, $0x1;
	s10 =	sld [smem:$0x3FB2];
	_ =	sdelay $0x3  }
0x37: {  	[smem:$0x3FB2] =	sst s10  }
0x38: {  	s10 =	sld [smem:$0x3FB3]  }
0x39: {  	_ = 	snop;
	(pc) =	sbr.ind lr, $3  }
0x3a: {  	_ = 	snop  }
0x3b: {  	_ = 	snop  }
0x3c: {  	p2 =	seq.s32 s10, $0x1;
	s10 =	sld [smem:$0x3FB2]  }
0x3d: {  	_ =	shalt  }
0x3e: {  	_ =	shalt  }
0x3f: {  	_ =	shalt  }
0x40: {  	_ =	shalt  }
0x41: {  	_ =	shalt  }
0x42: {  	_ =	shalt  }
0x43: {  	_ =	shalt  }
0x44: {  	_ =	shalt  }
0x45: {  	_ =	shalt  }
0x46: {  	_ =	shalt  }
0x47: {  	_ =	shalt  }
0x48: {  	_ =	shalt  }
0x49: {  	_ =	shalt  }
0x4a: {  	_ =	shalt  }
0x4b: {  	_ =	shalt  }
0x4c: {  	_ =	shalt  }
0x4d: {  	_ =	shalt  }
0x4e: {  	_ =	shalt  }
0x4f: {  	_ =	shalt  }
0x50: {  	_ =	shalt  }
0x51: {  	_ =	shalt  }
0x52: {  	_ =	shalt  }
0x53: {  	_ =	shalt  }
0x54: {  	_ =	shalt  }
0x55: {  	_ =	shalt  }
0x56: {  	_ =	shalt  }
0x57: {  	_ =	shalt  }
0x58: {  	_ =	shalt  }
0x59: {  	_ =	shalt  }
0x5a: {  	_ =	shalt  }
0x5b: {  	_ =	shalt  }
0x5c: {  	_ =	shalt  }
0x5d: {  	_ =	shalt  }
0x5e: {  	_ =	shalt  }
0x5f: {  	_ =	shalt  }
0x60: {  	_ =	shalt  }
0x61: {  	_ =	shalt  }
0x62: {  	_ =	shalt  }
0x63: {  	_ =	shalt  }
0x64: {  	_ =	shalt  }
0x65: {  	_ =	shalt  }
0x66: {  	_ =	shalt  }
0x67: {  	_ =	shalt  }
0x68: {  	_ =	shalt  }
0x69: {  	_ =	shalt  }
0x6a: {  	_ =	shalt  }
0x6b: {  	_ =	shalt  }
0x6c: {  	_ =	shalt  }
0x6d: {  	_ =	shalt  }
0x6e: {  	_ =	shalt  }
0x6f: {  	_ =	shalt  }
0x70: {  	_ =	shalt  }
0x71: {  	_ =	shalt  }
0x72: {  	_ =	shalt  }
0x73: {  	_ =	shalt  }
0x74: {  	_ =	shalt  }
0x75: {  	_ =	shalt  }
0x76: {  	_ =	shalt  }
0x77: {  	_ =	shalt  }
0x78: {  	_ =	shalt  }
0x79: {  	_ =	shalt  }
0x7a: {  	_ =	shalt  }
0x7b: {  	_ =	shalt  }
0x7c: {  	_ =	shalt  }
0x7d: {  	_ =	shalt  }
0x7e: {  	_ =	shalt  }
0x7f: {  	_ =	shalt  }
0x80: {  	_ =	shalt  }
0x81: {  	_ =	shalt  }
0x82: {  	_ =	shalt  }
0x83: {  	_ =	shalt  }
0x84: {  	_ =	shalt  }
0x85: {  	_ =	shalt  }
0x86: {  	_ =	shalt  }
0x87: {  	_ =	shalt  }
.Lfunc_end0:
.L_simem_size_0:
called_computation.2_lowered:
.L_overlay_start_0:
0x88: {  	s2 =	sld [smem:$0x3FD9]  }
0x89: {  	s3 =	sld [smem:$0x3FFE];
	_ =	sdelay $0x1  }
0x8a: {  	s1 =	srdreg.scid  }
0x8b: {  	s0 =	sand.u32 $0x1, s1  }
0x8c: {  	s17 =	sshll.u32 s0, $0xA;
	s2 =	sadd.s32 s3, s2  }
0x8d: {  	s2 =	sadd.s32 s2, s17  }
0x8e: {  	[smem:$0x3FBE] =	sst s2  }
0x8f: {  	_ = 	snop  }
0x90: {  	s2 =	sld [smem:$0x3FD0];
	(tm) =	ssettm $0x1  }
0x91: {  	s18 =	sld [smem:$0x3FFB];
	_ =	sdelay $0x3  }
0x92: {  	_ =	strace s18  }
0x93: {  	s3 =	sld [smem:$0x3FFC];
	_ =	sdelay $0x3  }
0x94: {  	_ =	strace s3  }
0x95: {  	s3 =	sld [smem:$0x3FFD];
	_ =	sdelay $0x3  }
0x96: {  	_ =	strace s3  }
0x97: {  	_ =	strace $0x8FFFFFFF  }
0x98: {  	s19 =	sld [smem:$0x3FDB];
	_ =	sdelay $0x1  }
0x99: {  	s4 =	simm.s32 $_scs_section_size  }
0x9a: {  	s5 =	simm.s32 $_size__tile_overlayer_lowered;
	s6 =	simm.s32 $_tile_overlayer_lowered  }
0x9b: {  	s22 =	simm.s32 $0x1BFF;
	s21 =	sshll.u32 s6, $0x1;
	s3 =	sadd.s32 s4, s19  }
0x9c: {  	s7 =	simm.s32 $0x0;
	s20 =	sshll.u32 s5, $0x1;
	s5 =	sadd.s32 s21, s3  }
0x9d: {  	[timem:s7], [sflag:s22] =	dma.local [hbm:s5], s20  }
0x9e: {  	_ =	swait.ge [sflag:s22], s20  }
0x9f: {  	s4 =	ssub.s32 $0x0, s20;
	[sflag:s22] =	ssyncset.done $0x0  }
0xa0: {  	[sflag:s22] =	ssyncadd.s32 s4;
	_ =	sdelay $0x1  }
0xa1: {  	s23 =	simm.s32 $0x1B8B  }
0xa2: {  	_ =	swait.ge [sflag:s23], $0x1  }
0xa3: {  	[sflag:s23] =	ssyncset.done $0x0  }
0xa4: {  	s25 =	simm.s32 $0x1B8E;
	s24 =	sld [smem:$0x3FFE];
	[sflag:s23] =	ssyncadd.s32 $0xFFFFFFFF  }
0xa5: {  	s26 =	simm.s32 $execute0_lowered;
	[smem:$0x3FD2] =	sst s25  }
0xa6: {  	s5 =	sshll.u32 s26, $0x1;
	_ =	strace $0x8000004C;
	[dreg:$0x1] =	wrdreg $0xFFFFFFFF  }
0xa7: {  	s28 =	simm.s32 $_size_execute0_lowered;
	s3 =	sadd.s32 s3, s5;
	[dreg:$0x0] =	wrdreg $0x0  }
0xa8: {  	s5 =	sshll.u32 s28, $0x1;
	[dreg:$0x2] =	wrdreg s3  }
0xa9: {  	[dreg:$0x3] =	wrdreg s5  }
0xaa: {  	[dreg:$0x4] =	wrdreg $0xC0  }
0xab: {  	_ =	task [dreg:s7], $0x5FFFF  }
0xac: {  	[dreg:$0x1] =	wrdreg $0xFFFFFFFF  }
0xad: {  	[dreg:$0x0] =	wrdreg $0x60  }
0xae: {  	[dreg:$0x2] =	wrdreg s2  }
0xaf: {  	[dreg:$0x3] =	wrdreg s24  }
0xb0: {  	[dreg:$0x4] =	wrdreg $0x46500  }
0xb1: {  	[dreg:$0x5] =	wrdreg $0x9  }
0xb2: {  	_ =	task.clear_ibuf [dreg:s7], $0x6FFFF;
	_ =	strace $0x9000004C  }
0xb3: {  	s29 =	simm.s32 $0x9;
	_ =	strace $0x8000004E  }
0xb4: {  	_ =	swait.ge [sflag:s29], $0x1  }
0xb5: {  	[sflag:s29] =	ssyncadd.s32 $0xFFFFFFFF  }
0xb6: {  	_ =	strace $0x9000004E  }
0xb7: {  	_ =	sfence  }
0xb8: {  	s30 =	sld [smem:$0x0];
	_ =	sdelay $0x2  }
0xb9: {  	s31 =	sshll.u32 s1, $0xD;
	s1 =	sshrl.u32 s1, $0x2  }
0xba: {  	s3 =	sand.u32 $0x4000, s31;
	s1 =	sadd.s32 s1, s30  }
0xbb: {  	s0 =	sor.u32 s3, s0;
	s1 =	sshll.u32 s1, $0x11  }
0xbc: {  	s0 =	sor.u32 s1, s0  }
0xbd: {  	s0 =	sadd.s32 $0x8F2B, s0  }
0xbe: {  	[sflag:s0] =	ssyncadd.remote.s32 $0x1  }
0xbf: {  	_ =	sfence.sel $0xFFFF  }
0xc0: {  	[dreg:$0x0] =	wrdreg $0xFFFFFFFF;
	(pc) =	sbr.abs _section_cstart, $3  }
0xc1: {  	[dreg:$0x1] =	wrdreg $0xFFFFFFFF  }
0xc2: {  	_ =	task.clear_ibuf [dreg:s7], $0x2FFFF;
	_ =	strace $0x9FFFFFFF  }
0xc3: {  	(tm) =	ssettm $0x7FFFFFFF  }
tec
execute0_lowered:
.L_overlay_start_1:
0x0: {  	(tag) =	ssettag $0x1  }
0x1: {  	s0 =	srdreg.scid;
	s11 =	stileid.u32  }
0x2: {  	s1 =	rddreg [dreg:$0x0];
	s0 =	sand.u32 $0x1, s0;
	s3 =	smul.u32 $0x30D40, s11  }
0x3: {  	s5 =	rddreg [dreg:$0x1];
	s2 =	simm.s32 $0x0;
	s4 =	smul.u32 $0x186A0, s0  }
0x4: {  	s30 =	simm.s32 $0x7D0;
	s7 =	sor.u32 $0x10, s11;
	s6 =	smul.u32 $0x186A00, s0  }
0x5: {  	s31 =	simm.s32 $0x2;
	[smem:$0x7FF] =	sst s2;
	s9 =	smul.u32 $0xFA00, s7  }
0x6: {  	s12 =	sor.u32 $0x20, s11;
	s13 =	sor.u32 $0x30, s11;
	s21 =	smul.u32 $0x3E80, s7  }
0x7: {  	s14 =	sor.u32 $0x40, s11;
	s15 =	sor.u32 $0x50, s11;
	s22 =	smul.u32 $0x3E80, s12  }
0x8: {  	s16 =	sor.u32 $0x60, s11;
	s24 =	ssub.s32 $0x2, s0;
	s23 =	smul.u32 $0x3E80, s13  }
0x9: {  	p0 =	sgt.u32 s16, $0x63;
	s25 =	sshrl.u32 s24, $0x1;
	s3 =	sadd.s32 s4, s3  }
0xa: {  	s4 =	smul.u32 $0x3E80, s11;
	s10 =	sadd.s32 s6, s22;
	s3 =	sshrl.u32 s3, $0x3  }
0xb: {  	s9 =	sshrl.u32 s9, $0x2;
	s0 =	sadd.s32 s3, s5;
	s5 =	sadd.s32 $0x24C200, s5  }
0xc: {  	s3 =	ssub.s32 s24, s25;
	s8 =	sadd.s32 s6, s4;
	s24 =	smul.u32 $0x3E80, s14  }
0xd: {  	s25 =	smul.u32 $0x3E80, s15;
	s26 =	sshrl.u32 s8, $0x3;
	s8 =	sadd.s32 s6, s21  }
0xe: {  	s28 =	sadd.s32 $0x63C00, s0;
	s29 =	sadd.s32 $0x2000, s0;
	s0 =	simm.s32 $0x1  }
0xf: {  	s7 =	sadd.s32 s5, s26;
	s19 =	sadd.s32 s6, s24;
	s20 =	sadd.s32 s6, s25  }
0x10: {  	s26 =	smul.u32 $0x3E80, s16;
	[dreg:$0x4] =	wrdreg s7;
	s7 =	sshrl.u32 s8, $0x3  }
0x11: {  	s8 =	sshrl.u32 s10, $0x3;
	s10 =	sadd.s32 s6, s23;
	s7 =	sadd.s32 s5, s7  }
0x12: {  	s17 =	sadd.s32 s5, s8;
	s18 =	sshrl.u32 s10, $0x3;
	s10 =	rddreg [dreg:$0x2]  }
0x13: {  	s8 =	sshrl.u32 s19, $0x3;
	s6 =	sadd.s32 s6, s26;
	[dreg:$0x5] =	wrdreg s7  }
0x14: {  	s19 =	smul.u32 $0xFA00, s12;
	s12 =	smax.u32 s3, $0x1;
	[dreg:$0x6] =	wrdreg s17  }
0x15: {  	s7 =	sadd.s32 s5, s18;
	s17 =	sshrl.u32 s20, $0x3;
	s6 =	sshrl.u32 s6, $0x3  }
0x16: {  	s21 =	sadd.s32 s21, s10;
	s22 =	sadd.s32 s22, s10;
	s23 =	sadd.s32 s23, s10  }
0x17: {  	s24 =	sadd.s32 s24, s10;
	s25 =	sadd.s32 s25, s10;
	s26 =	sadd.s32 s26, s10  }
0x18: {  	[dreg:$0x7] =	wrdreg s7;
	s18 =	sadd.s32 s5, s17;
	s17 =	smul.u32 $0xFA00, s11  }
0x19: {  	s7 =	sadd.s32 s5, s8;
	s5 =	sadd.s32 s5, s6;
	s8 =	smul.u32 $0xFA00, s14  }
0x1a: {  	s11 =	smul.u32 $0xFA00, s15;
	s14 =	sadd.s32 s9, s10;
	[dreg:$0x8] =	wrdreg s7  }
0x1b: {  	s9 =	simm.s32 $0x3E8;
	[dreg:$0x9] =	wrdreg s18;
	s7 =	smul.u32 $0xFA00, s13  }
0x1c: {  	[dreg:$0xa] =	wrdreg s5;
	s5 =	sshrl.u32 s19, $0x2;
	s18 =	smul.u32 $0xFA00, s16  }
0x1d: {  	_ =	strace $0x8000004D;
	s20 =	sshrl.u32 s17, $0x2;
	s15 =	sadd.s32 s5, s10  }
0x1e: {  	s3 =	sshrl.u32 s8, $0x2;
	s19 =	sshrl.u32 s11, $0x2;
	s13 =	sadd.s32 s20, s10  }
0x1f: {  	s17 =	sshrl.u32 s7, $0x2;
	s20 =	sshrl.u32 s18, $0x2;
	s18 =	sadd.s32 s19, s10  }
0x20: {  	s16 =	sadd.s32 s17, s10;
	s17 =	sadd.s32 s3, s10;
	s19 =	sadd.s32 s20, s10  }
0x21: {  	v0 =	vimm.f32 $0.0e+00;
	s20 =	sadd.s32 s4, s10;
	s3 =	simm.s32 $0x3;
	s4 =	simm.s32 $0x0  }
.LBB2_1:
0x22: {  	s5 =	simm.s32 $0x40;
	s6 =	simm.s32 $0x0  }
.LBB2_2:
0x23: {  	p1 =	sne.s32 s5, $0xF9C0;
	[tilespmem:s6+$0x7D0] =	vst v0;
	s6 =	smov.u32 s5;
	s5 =	sadd.s32 $0x40, s5  }
.Ltmp0:
0x24: {  	(pc) =	sbr.rel @p1 .LBB2_2-.Ltmp0, $2  }
0x25: {  	_ =	sdelay $0x2  }
0x26: {  	s6 =	sshra.s32 s6, $0x2  }
0x27: {  	[tilespmem:s6+$0x7D0] =	vst v0  }
0x28: {  	[spmem:s13] =	stream.linear.scatter [tilespmem:s30], [sflag:$0x2], $0x3E80, $0x38;
	[tilespmem:$0x1CCF0] =	vst v63  }
0x29: {  	_ =	swait.ge [sflag:s31], $0x3E80  }
0x2a: {  	[sflag:s31] =	ssyncset.done $0x0  }
0x2b: {  	[sflag:s31] =	ssyncadd.s32 $0xFFFFC180  }
0x2c: {  	[spmem:s14] =	stream.linear.scatter [tilespmem:s30], [sflag:$0x2], $0x3E80, $0x38;
	[tilespmem:$0x1CCF0] =	vst v63  }
0x2d: {  	_ =	swait.ge [sflag:s31], $0x3E80  }
0x2e: {  	[sflag:s31] =	ssyncset.done $0x0  }
0x2f: {  	[sflag:s31] =	ssyncadd.s32 $0xFFFFC180  }
0x30: {  	[spmem:s15] =	stream.linear.scatter [tilespmem:s30], [sflag:$0x2], $0x3E80, $0x38;
	[tilespmem:$0x1CCF0] =	vst v63  }
0x31: {  	_ =	swait.ge [sflag:s31], $0x3E80  }
0x32: {  	[sflag:s31] =	ssyncset.done $0x0  }
0x33: {  	[sflag:s31] =	ssyncadd.s32 $0xFFFFC180  }
0x34: {  	[spmem:s16] =	stream.linear.scatter [tilespmem:s30], [sflag:$0x2], $0x3E80, $0x38;
	[tilespmem:$0x1CCF0] =	vst v63  }
0x35: {  	_ =	swait.ge [sflag:s31], $0x3E80  }
0x36: {  	[sflag:s31] =	ssyncset.done $0x0  }
0x37: {  	[sflag:s31] =	ssyncadd.s32 $0xFFFFC180  }
0x38: {  	[spmem:s17] =	stream.linear.scatter [tilespmem:s30], [sflag:$0x2], $0x3E80, $0x38;
	[tilespmem:$0x1CCF0] =	vst v63  }
0x39: {  	_ =	swait.ge [sflag:s31], $0x3E80  }
0x3a: {  	[sflag:s31] =	ssyncset.done $0x0  }
0x3b: {  	[sflag:s31] =	ssyncadd.s32 $0xFFFFC180  }
0x3c: {  	[spmem:s18] =	stream.linear.scatter [tilespmem:s30], [sflag:$0x2], $0x3E80, $0x38;
	[tilespmem:$0x1CCF0] =	vst v63  }
0x3d: {  	_ =	swait.ge [sflag:s31], $0x3E80  }
0x3e: {  	[sflag:s31] =	ssyncset.done $0x0  }
0x3f: {  	s5 =	simm.s32 @!p0 $0x7D0;
	[sflag:s31] =	ssyncadd.s32 $0xFFFFC180  }
0x40: {  	[spmem:s19] =	stream.linear.scatter @!p0 [tilespmem:s5], [sflag:$0x2], $0x3E80, $0x38;
	[tilespmem:$0x1CCF0] =	vst v63  }
0x41: {  	s5 =	simm.s32 @!p0 $0x2  }
0x42: {  	_ =	swait.ge @!p0 [sflag:s5], $0x3E80  }
0x43: {  	[sflag:s5] =	ssyncset.done @!p0 $0x0  }
0x44: {  	[sflag:s5] =	ssyncadd.s32 @!p0 $0xFFFFC180  }
0x45: {  	s8 =	sadd.s32 $0x0, s29;
	[bflag:$0x0] =	sbarrier.arrive $0xFFFF  }
0x46: {  	[tilespmem:s2], [sflag:$0x2] =	stream.linear.gather [hbm4b:s8+s2], $0x3E8, $0x38;
	[tilespmem:$0x1CCF0] =	vst v63  }
0x47: {  	_ =	swait.ge [sflag:s31], $0x3E8  }
0x48: {  	[sflag:s31] =	ssyncset.done $0x0  }
0x49: {  	s11 =	sadd.s32 $0x0, s28;
	[sflag:s31] =	ssyncadd.s32 $0xFFFFFC18  }
0x4a: {  	[tilespmem:s9], [sflag:$0x2] =	stream.linear.gather [hbm4b:s11+s2], $0x3E8, $0x38;
	[tilespmem:$0x1CCF0] =	vst v63  }
0x4b: {  	_ =	swait.ge [sflag:s31], $0x3E8  }
0x4c: {  	[sflag:s31] =	ssyncset.done $0x0  }
0x4d: {  	[sflag:s31] =	ssyncadd.s32 $0xFFFFFC18  }
0x4e: {  	[tilespmem:s30], [sflag:$0x1] =	stream.indirect.gather [hbm4b:s1+s9], $0x10, s2, s9, $0xb8;
	[tilespmem:$0x1CCF0] =	vst v63  }
0x4f: {  	_ =	swait.ge [sflag:s0], $0x3E80  }
0x50: {  	[sflag:s0] =	ssyncset.done $0x0  }
0x51: {  	[sflag:s0] =	ssyncadd.s32 $0xFFFFC180  }
0x52: {  	[spmem:s10] =	stream.indirect.scatter.add.f32 [tilespmem:s30], [sflag:$0x2], $0x10, s9, s9, $0xb8;
	[tilespmem:$0x1CCF0] =	vst v63  }
0x53: {  	_ =	swait.ge [sflag:s31], $0x3E80  }
0x54: {  	s6 =	simm.s32 $0xFA;
	s5 =	simm.s32 $0x7D;
	[sflag:s31] =	ssyncset.done $0x0  }
.LBB2_4:
0x55: {  	s7 =	sadd.s32 s5, s29  }
0x56: {  	[sflag:s31] =	ssyncadd.s32 $0xFFFFC180;
	s8 =	smov.u32 s6;
	s11 =	sadd.s32 $0x7D, s6  }
0x57: {  	[tilespmem:s2], [sflag:$0x2] =	stream.linear.gather [hbm4b:s7+s2], $0x3E8, $0x38;
	[tilespmem:$0x1CCF0] =	vst v63  }
0x58: {  	p1 =	sne.s32 s6, $0x3057;
	_ =	swait.ge [sflag:s31], $0x3E8  }
0x59: {  	[sflag:s31] =	ssyncset.done $0x0  }
0x5a: {  	s6 =	sadd.s32 s5, s28;
	s5 =	smov.u32 s8;
	[sflag:s31] =	ssyncadd.s32 $0xFFFFFC18  }
0x5b: {  	[tilespmem:s9], [sflag:$0x2] =	stream.linear.gather [hbm4b:s6+s2], $0x3E8, $0x38;
	[tilespmem:$0x1CCF0] =	vst v63  }
0x5c: {  	_ =	swait.ge [sflag:s31], $0x3E8  }
0x5d: {  	[sflag:s31] =	ssyncset.done $0x0  }
0x5e: {  	[sflag:s31] =	ssyncadd.s32 $0xFFFFFC18  }
0x5f: {  	[tilespmem:s30], [sflag:$0x1] =	stream.indirect.gather [hbm4b:s1+s9], $0x10, s2, s9, $0xb8;
	[tilespmem:$0x1CCF0] =	vst v63  }
0x60: {  	_ =	swait.ge [sflag:s0], $0x3E80  }
.Ltmp1:
0x61: {  	[sflag:s0] =	ssyncset.done $0x0;
	(pc) =	sbr.rel @p1 .LBB2_4-.Ltmp1, $4  }
0x62: {  	[sflag:s0] =	ssyncadd.s32 $0xFFFFC180  }
0x63: {  	[spmem:s10] =	stream.indirect.scatter.add.f32 [tilespmem:s30], [sflag:$0x2], $0x10, s9, s9, $0xb8;
	[tilespmem:$0x1CCF0] =	vst v63  }
0x64: {  	_ =	swait.ge [sflag:s31], $0x3E80  }
0x65: {  	s6 =	smov.u32 s11;
	[sflag:s31] =	ssyncset.done $0x0  }
0x66: {  	s6 =	sadd.s32 s5, s29;
	[sflag:s31] =	ssyncadd.s32 $0xFFFFC180  }
0x67: {  	[tilespmem:s2], [sflag:$0x2] =	stream.linear.gather [hbm4b:s6+s2], $0x3E8, $0x38;
	[tilespmem:$0x1CCF0] =	vst v63  }
0x68: {  	_ =	swait.ge [sflag:s31], $0x3E8  }
0x69: {  	[sflag:s31] =	ssyncset.done $0x0  }
0x6a: {  	s7 =	sadd.s32 s5, s28;
	[sflag:s31] =	ssyncadd.s32 $0xFFFFFC18  }
0x6b: {  	[tilespmem:s9], [sflag:$0x2] =	stream.linear.gather [hbm4b:s7+s2], $0x3E8, $0x38;
	[tilespmem:$0x1CCF0] =	vst v63  }
0x6c: {  	_ =	swait.ge [sflag:s31], $0x3E8  }
0x6d: {  	[sflag:s31] =	ssyncset.done $0x0  }
0x6e: {  	[sflag:s31] =	ssyncadd.s32 $0xFFFFFC18  }
0x6f: {  	[tilespmem:s30], [sflag:$0x1] =	stream.indirect.gather [hbm4b:s1+s9], $0x10, s2, s9, $0xb8;
	[tilespmem:$0x1CCF0] =	vst v63  }
0x70: {  	_ =	swait.ge [sflag:s0], $0x3E80  }
0x71: {  	[sflag:s0] =	ssyncset.done $0x0  }
0x72: {  	[sflag:s0] =	ssyncadd.s32 $0xFFFFC180  }
0x73: {  	[spmem:s10] =	stream.indirect.scatter.add.f32 [tilespmem:s30], [sflag:$0x2], $0x10, s9, s9, $0xb8;
	[tilespmem:$0x1CCF0] =	vst v63  }
0x74: {  	_ =	swait.ge [sflag:s31], $0x3E80  }
0x75: {  	[sflag:s31] =	ssyncset.done $0x0  }
0x76: {  	[sflag:s31] =	ssyncadd.s32 $0xFFFFC180  }
0x77: {  	[bflag:$0x0] =	sbarrier.arrive $0xFFFF  }
0x78: {  	[tilespmem:s30], [sflag:$0x3] =	stream.linear.gather [spmem:s20], $0x3E80, $0x38;
	[tilespmem:$0x1CCF0] =	vst v63  }
0x79: {  	_ =	swait.ge [sflag:s3], $0x3E80  }
0x7a: {  	[sflag:s3] =	ssyncset.done $0x0  }
0x7b: {  	s8 =	rddreg [dreg:$0x4];
	[sflag:s3] =	ssyncadd.s32 $0xFFFFC180  }
0x7c: {  	[hbm4b:s8+s2] =	stream.linear.scatter [tilespmem:s30], [sflag:$0x2], $0x3E80, $0x38;
	[tilespmem:$0x1CCF0] =	vst v63  }
0x7d: {  	_ =	swait.ge [sflag:s31], $0x3E80  }
0x7e: {  	[sflag:s31] =	ssyncset.done $0x0  }
0x7f: {  	[sflag:s31] =	ssyncadd.s32 $0xFFFFC180  }
0x80: {  	[tilespmem:s30], [sflag:$0x3] =	stream.linear.gather [spmem:s21], $0x3E80, $0x38;
	[tilespmem:$0x1CCF0] =	vst v63  }
0x81: {  	_ =	swait.ge [sflag:s3], $0x3E80  }
0x82: {  	[sflag:s3] =	ssyncset.done $0x0  }
0x83: {  	s11 =	rddreg [dreg:$0x5];
	[sflag:s3] =	ssyncadd.s32 $0xFFFFC180  }
0x84: {  	[hbm4b:s11+s2] =	stream.linear.scatter [tilespmem:s30], [sflag:$0x2], $0x3E80, $0x38;
	[tilespmem:$0x1CCF0] =	vst v63  }
0x85: {  	_ =	swait.ge [sflag:s31], $0x3E80  }
0x86: {  	[sflag:s31] =	ssyncset.done $0x0  }
0x87: {  	[sflag:s31] =	ssyncadd.s32 $0xFFFFC180  }
0x88: {  	[tilespmem:s30], [sflag:$0x3] =	stream.linear.gather [spmem:s22], $0x3E80, $0x38;
	[tilespmem:$0x1CCF0] =	vst v63  }
0x89: {  	_ =	swait.ge [sflag:s3], $0x3E80  }
0x8a: {  	[sflag:s3] =	ssyncset.done $0x0  }
0x8b: {  	s6 =	rddreg [dreg:$0x6];
	[sflag:s3] =	ssyncadd.s32 $0xFFFFC180  }
0x8c: {  	[hbm4b:s6+s2] =	stream.linear.scatter [tilespmem:s30], [sflag:$0x2], $0x3E80, $0x38;
	[tilespmem:$0x1CCF0] =	vst v63  }
0x8d: {  	_ =	swait.ge [sflag:s31], $0x3E80  }
0x8e: {  	[sflag:s31] =	ssyncset.done $0x0  }
0x8f: {  	[sflag:s31] =	ssyncadd.s32 $0xFFFFC180  }
0x90: {  	[tilespmem:s30], [sflag:$0x3] =	stream.linear.gather [spmem:s23], $0x3E80, $0x38;
	[tilespmem:$0x1CCF0] =	vst v63  }
0x91: {  	_ =	swait.ge [sflag:s3], $0x3E80  }
0x92: {  	[sflag:s3] =	ssyncset.done $0x0  }
0x93: {  	s7 =	rddreg [dreg:$0x7];
	[sflag:s3] =	ssyncadd.s32 $0xFFFFC180  }
0x94: {  	[hbm4b:s7+s2] =	stream.linear.scatter [tilespmem:s30], [sflag:$0x2], $0x3E80, $0x38;
	[tilespmem:$0x1CCF0] =	vst v63  }
0x95: {  	_ =	swait.ge [sflag:s31], $0x3E80  }
0x96: {  	[sflag:s31] =	ssyncset.done $0x0  }
0x97: {  	[sflag:s31] =	ssyncadd.s32 $0xFFFFC180  }
0x98: {  	[tilespmem:s30], [sflag:$0x3] =	stream.linear.gather [spmem:s24], $0x3E80, $0x38;
	[tilespmem:$0x1CCF0] =	vst v63  }
0x99: {  	_ =	swait.ge [sflag:s3], $0x3E80  }
0x9a: {  	[sflag:s3] =	ssyncset.done $0x0  }
0x9b: {  	s8 =	rddreg [dreg:$0x8];
	[sflag:s3] =	ssyncadd.s32 $0xFFFFC180  }
0x9c: {  	[hbm4b:s8+s2] =	stream.linear.scatter [tilespmem:s30], [sflag:$0x2], $0x3E80, $0x38;
	[tilespmem:$0x1CCF0] =	vst v63  }
0x9d: {  	_ =	swait.ge [sflag:s31], $0x3E80  }
0x9e: {  	[sflag:s31] =	ssyncset.done $0x0  }
0x9f: {  	[sflag:s31] =	ssyncadd.s32 $0xFFFFC180  }
0xa0: {  	[tilespmem:s30], [sflag:$0x3] =	stream.linear.gather [spmem:s25], $0x3E80, $0x38;
	[tilespmem:$0x1CCF0] =	vst v63  }
0xa1: {  	_ =	swait.ge [sflag:s3], $0x3E80  }
0xa2: {  	[sflag:s3] =	ssyncset.done $0x0  }
0xa3: {  	s11 =	rddreg [dreg:$0x9];
	[sflag:s3] =	ssyncadd.s32 $0xFFFFC180  }
0xa4: {  	[hbm4b:s11+s2] =	stream.linear.scatter [tilespmem:s30], [sflag:$0x2], $0x3E80, $0x38;
	[tilespmem:$0x1CCF0] =	vst v63  }
0xa5: {  	_ =	swait.ge [sflag:s31], $0x3E80  }
0xa6: {  	[sflag:s31] =	ssyncset.done $0x0  }
0xa7: {  	s5 =	simm.s32 @!p0 $0x7D0;
	s6 =	simm.s32 @!p0 $0x3;
	[sflag:s31] =	ssyncadd.s32 $0xFFFFC180  }
0xa8: {  	[tilespmem:s5], [sflag:$0x3] =	stream.linear.gather @!p0 [spmem:s26], $0x3E80, $0x38;
	[tilespmem:$0x1CCF0] =	vst v63  }
0xa9: {  	s4 =	sadd.s32 $0x1, s4;
	_ =	swait.ge @!p0 [sflag:s6], $0x3E80  }
0xaa: {  	p1 =	sne.s32 s4, s12;
	[sflag:s6] =	ssyncset.done @!p0 $0x0  }
0xab: {  	s7 =	rddreg [dreg:$0xa];
	[sflag:s6] =	ssyncadd.s32 @!p0 $0xFFFFC180;
	s6 =	simm.s32 @!p0 $0x0  }
0xac: {  	[hbm4b:s7+s6] =	stream.linear.scatter @!p0 [tilespmem:s5], [sflag:$0x2], $0x3E80, $0x38;
	[tilespmem:$0x1CCF0] =	vst v63  }
.Ltmp2:
0xad: {  	_ = 	snop;
	(pc) =	sbr.rel @p1 .LBB2_1-.Ltmp2, $4  }
0xae: {  	s5 =	simm.s32 @!p0 $0x2  }
0xaf: {  	_ =	swait.ge @!p0 [sflag:s5], $0x3E80  }
0xb0: {  	[sflag:s5] =	ssyncset.done @!p0 $0x0  }
0xb1: {  	[sflag:s5] =	ssyncadd.s32 @!p0 $0xFFFFC180  }
0xb2: {  	_ =	sfence.sel $0x180000  }
0xb3: {  	[bflag:$0x0] =	sbarrier.arrive $0xFFFF  }
0xb4: {  	_ =	strace $0x9000004D  }
0xb5: {  	s0 =	stileid.u32;
	[bflag:$0x2] =	sbarrier.arrive $0xFFFF  }
0xb6: {  	p0 =	sne.s32 s0, $0x0;
	s0 =	rddreg [dreg:$0x3]  }
0xb7: {  	s0 =	sadd.s32 @!p0 $0x100000, s0  }
0xb8: {  	[sflag:s0] =	ssyncadd.tile.s32 @!p0 $0x1;
	_ =	shalt  }
.Lfunc_end2:
_tile_overlayer_lowered:
.L_overlay_start_2:
0xb9: {  	(tag) =	ssettag $0x2  }
0xba: {  	s0 =	rddreg [dreg:$0x0];
	s2 =	stileid.u32  }
0xbb: {  	s1 =	rddreg [dreg:$0x1];
	p0 =	sne.s32 s2, $0x0  }
0xbc: {  	s3 =	rddreg [dreg:$0x2];
	[bflag:$0x3] =	sbarrier.arrive $0xFFFF;
	s2 =	simm.s32 @!p0 $0x1C02  }
0xbd: {  	[timem:s3], [sflag:s2] =	dma.local @!p0 [hbm:s0], s1  }
0xbe: {  	s0 =	simm.s32 @!p0 $0x2  }
0xbf: {  	_ =	swait.ge @!p0 [sflag:s0], s1  }
0xc0: {  	s1 =	ssub.s32 @!p0 $0x0, s1;
	[sflag:s0] =	ssyncset.done @!p0 $0x0  }
0xc1: {  	[sflag:s0] =	ssyncadd.s32 @!p0 s1  }
0xc2: {  	[bflag:$0x3] =	sbarrier.arrive $0xFFFF  }
0xc3: {  	_ =	shalt  }

// kernel: kernel.8.cloned.1.call-start
scs
__scs_entry_jumppad:
0x0: {  	(pc) =	sbr.rel $0x88, $3  }
0x1: {  	(tag) =	ssettag $0x0;
	lr =	simm.s32 $0x1  }
0x2: {  	[smem:$0x3F97] =	sst lr;
	_ =	strace $0xD0000000  }
0x3: {  	_ = 	snop  }
0x4: {  	_ = 	snop  }
0x5: {  	_ = 	snop  }
0x6: {  	_ = 	snop  }
0x7: {  	_ = 	snop  }
__scs_overlays_trampoline_lowered:
0x8: {  	[smem:$0x3FA6] =	sst s0  }
0x9: {  	[smem:$0x3FA7] =	sst s1  }
0xa: {  	[smem:$0x3FA8] =	sst s2  }
0xb: {  	[smem:$0x3FA9] =	sst s3  }
0xc: {  	[smem:$0x3FAA] =	sst s4  }
0xd: {  	[smem:$0x3FAB] =	sst s5  }
0xe: {  	[smem:$0x3FAC] =	sst s6  }
0xf: {  	[smem:$0x3FAD] =	sst s7  }
0x10: {  	[smem:$0x3FAE] =	sst s8  }
0x11: {  	[smem:$0x3FAF] =	sst s9;
	s0 =	simm.s32 @!p0 $0x0  }
0x12: {  	s1 =	sld [smem:$0x3F95];
	s0 =	simm.s32 @p0 $0x1  }
0x13: {  	[smem:$0x3FB0] =	sst s0;
	s0 =	simm.s32 @!p1 $0x0  }
0x14: {  	s2 =	sld [smem:$0x3F94];
	s0 =	simm.s32 @p1 $0x1  }
0x15: {  	[smem:$0x3FB1] =	sst s0;
	s0 =	simm.s32 @!p2 $0x0  }
0x16: {  	s3 =	sld [smem:$0x3FDB];
	s0 =	simm.s32 @p2 $0x1  }
0x17: {  	s4 =	simm.s32 $0x1BF5;
	[smem:$0x3FB3] =	sst s0  }
0x18: {  	s0 =	sld [smem:$0x3F96];
	_ =	swait.ge [sflag:s4], $0x0  }
0x19: {  	s7 =	sld [smem:$0x3F97]  }
0x1a: {  	s8 =	sadd.s32 $0xFFFFE003, lr  }
0x1b: {  	s9 =	sadd.s32 $0xFFFFFEF7, lr;
	s5 =	simm.s32 $0xFFFFFFFF;
	p2 =	slt.u32 s8, $0xFFFFF086  }
0x1c: {  	p1 =	slt.u32 s9, $0xF7A;
	s5 =	simm.s32 @!p2 $0x0  }
0x1d: {  	s5 =	simm.s32 @p1 $0x1;
	p0 =	seq.s32 s7, s2  }
0x1e: {  	s7 =	smul.u32 @!p0 $0xF7A, s2;
	p2 =	seq.s32 @!p0 s5, $0x0  }
0x1f: {  	s9 =	smul.u32 $0xF7A, s1;
	s8 =	simm.s32 @!p0 $0x1BF5;
	p2 =	por !p2, p0  }
0x20: {  	[sflag:s8] =	ssyncset.s32 @!p0 $0xFFFFF086;
	s6 =	sadd.s32 @!p0 s3, s7;
	s7 =	simm.s32 @!p0 $0x108  }
0x21: {  	s3 =	sadd.s32 s3, s9;
	s6 =	sadd.s32 @!p0 $0x88, s6;
	s7 =	simm.s32 @p2 $0x1082  }
0x22: {  	[simem:s7], [sflag:s8] =	dma.local @!p0 [hbm:s6], $0xF7A  }
0x23: {  	s9 =	sor.u32 $0xD0000000, s2;
	s6 =	simm.s32 $0x108;
	_ =	swait.ge @!p0 [sflag:s8], $0x0  }
0x24: {  	s3 =	sadd.s32 $0x88, s3;
	s6 =	simm.s32 @!p1 $0x1082;
	[sflag:s4] =	ssyncset.s32 $0xFFFFF086  }
0x25: {  	[simem:s6], [sflag:s4] =	dma.local [hbm:s3], $0xF7A  }
0x26: {  	[smem:$0x3F97] =	sst s1;
	(tag) =	ssettag s2;
	_ =	strace s9  }
0x27: {  	s1 =	sld [smem:$0x3FA7]  }
0x28: {  	s2 =	sld [smem:$0x3FA8]  }
0x29: {  	s4 =	sld [smem:$0x3FAA]  }
0x2a: {  	p0 =	seq.s32 s5, $0x0;
	s5 =	sld [smem:$0x3FAB]  }
0x2b: {  	s6 =	sld [smem:$0x3FAC]  }
0x2c: {  	s7 =	sld [smem:$0x3FAD]  }
0x2d: {  	s3 =	simm.s32 $0x108;
	s8 =	sld [smem:$0x3FAE]  }
0x2e: {  	s3 =	simm.s32 @!p0 $0x1082;
	s9 =	sld [smem:$0x3FAF]  }
0x2f: {  	lr =	sadd.s32 s0, s3;
	s0 =	sld [smem:$0x3FA6]  }
0x30: {  	s3 =	sld [smem:$0x3FA9]  }
0x31: {  	[smem:$0x3FB2] =	sst s10  }
0x32: {  	s10 =	sld [smem:$0x3FB0];
	_ =	sdelay $0x3  }
0x33: {  	p0 =	seq.s32 s10, $0x1;
	s10 =	sld [smem:$0x3FB2];
	_ =	sdelay $0x3  }
0x34: {  	[smem:$0x3FB2] =	sst s10  }
0x35: {  	s10 =	sld [smem:$0x3FB1];
	_ =	sdelay $0x3  }
0x36: {  	p1 =	seq.s32 s10, $0x1;
	s10 =	sld [smem:$0x3FB2];
	_ =	sdelay $0x3  }
0x37: {  	[smem:$0x3FB2] =	sst s10  }
0x38: {  	s10 =	sld [smem:$0x3FB3]  }
0x39: {  	_ = 	snop;
	(pc) =	sbr.ind lr, $3  }
0x3a: {  	_ = 	snop  }
0x3b: {  	_ = 	snop  }
0x3c: {  	p2 =	seq.s32 s10, $0x1;
	s10 =	sld [smem:$0x3FB2]  }
0x3d: {  	_ =	shalt  }
0x3e: {  	_ =	shalt  }
0x3f: {  	_ =	shalt  }
0x40: {  	_ =	shalt  }
0x41: {  	_ =	shalt  }
0x42: {  	_ =	shalt  }
0x43: {  	_ =	shalt  }
0x44: {  	_ =	shalt  }
0x45: {  	_ =	shalt  }
0x46: {  	_ =	shalt  }
0x47: {  	_ =	shalt  }
0x48: {  	_ =	shalt  }
0x49: {  	_ =	shalt  }
0x4a: {  	_ =	shalt  }
0x4b: {  	_ =	shalt  }
0x4c: {  	_ =	shalt  }
0x4d: {  	_ =	shalt  }
0x4e: {  	_ =	shalt  }
0x4f: {  	_ =	shalt  }
0x50: {  	_ =	shalt  }
0x51: {  	_ =	shalt  }
0x52: {  	_ =	shalt  }
0x53: {  	_ =	shalt  }
0x54: {  	_ =	shalt  }
0x55: {  	_ =	shalt  }
0x56: {  	_ =	shalt  }
0x57: {  	_ =	shalt  }
0x58: {  	_ =	shalt  }
0x59: {  	_ =	shalt  }
0x5a: {  	_ =	shalt  }
0x5b: {  	_ =	shalt  }
0x5c: {  	_ =	shalt  }
0x5d: {  	_ =	shalt  }
0x5e: {  	_ =	shalt  }
0x5f: {  	_ =	shalt  }
0x60: {  	_ =	shalt  }
0x61: {  	_ =	shalt  }
0x62: {  	_ =	shalt  }
0x63: {  	_ =	shalt  }
0x64: {  	_ =	shalt  }
0x65: {  	_ =	shalt  }
0x66: {  	_ =	shalt  }
0x67: {  	_ =	shalt  }
0x68: {  	_ =	shalt  }
0x69: {  	_ =	shalt  }
0x6a: {  	_ =	shalt  }
0x6b: {  	_ =	shalt  }
0x6c: {  	_ =	shalt  }
0x6d: {  	_ =	shalt  }
0x6e: {  	_ =	shalt  }
0x6f: {  	_ =	shalt  }
0x70: {  	_ =	shalt  }
0x71: {  	_ =	shalt  }
0x72: {  	_ =	shalt  }
0x73: {  	_ =	shalt  }
0x74: {  	_ =	shalt  }
0x75: {  	_ =	shalt  }
0x76: {  	_ =	shalt  }
0x77: {  	_ =	shalt  }
0x78: {  	_ =	shalt  }
0x79: {  	_ =	shalt  }
0x7a: {  	_ =	shalt  }
0x7b: {  	_ =	shalt  }
0x7c: {  	_ =	shalt  }
0x7d: {  	_ =	shalt  }
0x7e: {  	_ =	shalt  }
0x7f: {  	_ =	shalt  }
0x80: {  	_ =	shalt  }
0x81: {  	_ =	shalt  }
0x82: {  	_ =	shalt  }
0x83: {  	_ =	shalt  }
0x84: {  	_ =	shalt  }
0x85: {  	_ =	shalt  }
0x86: {  	_ =	shalt  }
0x87: {  	_ =	shalt  }
.Lfunc_end0:
.L_simem_size_0:
called_computation_lowered:
.L_overlay_start_0:
0x88: {  	s2 =	sld [smem:$0x3FD9]  }
0x89: {  	s3 =	sld [smem:$0x3FFE];
	_ =	sdelay $0x1  }
0x8a: {  	s1 =	srdreg.scid  }
0x8b: {  	s0 =	sand.u32 $0x1, s1  }
0x8c: {  	s17 =	sshll.u32 s0, $0xA;
	s2 =	sadd.s32 s3, s2  }
0x8d: {  	s2 =	sadd.s32 s2, s17  }
0x8e: {  	[smem:$0x3FBE] =	sst s2  }
0x8f: {  	_ = 	snop  }
0x90: {  	s2 =	sld [smem:$0x3FD0];
	(tm) =	ssettm $0x1  }
0x91: {  	s18 =	sld [smem:$0x3FFB];
	_ =	sdelay $0x3  }
0x92: {  	_ =	strace s18  }
0x93: {  	s3 =	sld [smem:$0x3FFC];
	_ =	sdelay $0x3  }
0x94: {  	_ =	strace s3  }
0x95: {  	s3 =	sld [smem:$0x3FFD];
	_ =	sdelay $0x3  }
0x96: {  	_ =	strace s3  }
0x97: {  	_ =	strace $0x8FFFFFFF  }
0x98: {  	s19 =	sld [smem:$0x3FDB];
	_ =	sdelay $0x1  }
0x99: {  	s4 =	simm.s32 $_scs_section_size  }
0x9a: {  	s5 =	simm.s32 $_size__tile_overlayer_lowered;
	s6 =	simm.s32 $_tile_overlayer_lowered  }
0x9b: {  	s22 =	simm.s32 $0x1BFF;
	s21 =	sshll.u32 s6, $0x1;
	s3 =	sadd.s32 s4, s19  }
0x9c: {  	s7 =	simm.s32 $0x0;
	s20 =	sshll.u32 s5, $0x1;
	s5 =	sadd.s32 s21, s3  }
0x9d: {  	[timem:s7], [sflag:s22] =	dma.local [hbm:s5], s20  }
0x9e: {  	_ =	swait.ge [sflag:s22], s20  }
0x9f: {  	s4 =	ssub.s32 $0x0, s20;
	[sflag:s22] =	ssyncset.done $0x0  }
0xa0: {  	[sflag:s22] =	ssyncadd.s32 s4;
	_ =	sdelay $0x1  }
0xa1: {  	s23 =	simm.s32 $0x1B8B  }
0xa2: {  	_ =	swait.ge [sflag:s23], $0x1  }
0xa3: {  	[sflag:s23] =	ssyncset.done $0x0  }
0xa4: {  	s25 =	simm.s32 $0x1B8E;
	s24 =	sld [smem:$0x3FFE];
	[sflag:s23] =	ssyncadd.s32 $0xFFFFFFFF  }
0xa5: {  	s26 =	simm.s32 $execute0_lowered;
	[smem:$0x3FD2] =	sst s25  }
0xa6: {  	s5 =	sshll.u32 s26, $0x1;
	_ =	strace $0x80000046;
	[dreg:$0x1] =	wrdreg $0xFFFFFFFF  }
0xa7: {  	s28 =	simm.s32 $_size_execute0_lowered;
	s3 =	sadd.s32 s3, s5;
	[dreg:$0x0] =	wrdreg $0x0  }
0xa8: {  	s5 =	sshll.u32 s28, $0x1;
	[dreg:$0x2] =	wrdreg s3  }
0xa9: {  	[dreg:$0x3] =	wrdreg s5  }
0xaa: {  	[dreg:$0x4] =	wrdreg $0xC0  }
0xab: {  	_ =	task [dreg:s7], $0x5FFFF  }
0xac: {  	[dreg:$0x1] =	wrdreg $0xFFFFFFFF  }
0xad: {  	[dreg:$0x0] =	wrdreg $0x60  }
0xae: {  	[dreg:$0x2] =	wrdreg s24  }
0xaf: {  	[dreg:$0x3] =	wrdreg s2  }
0xb0: {  	[dreg:$0x4] =	wrdreg $0x8000  }
0xb1: {  	[dreg:$0x5] =	wrdreg $0x9  }
0xb2: {  	_ =	task.clear_ibuf [dreg:s7], $0x6FFFF;
	_ =	strace $0x90000046  }
0xb3: {  	s29 =	simm.s32 $0x9;
	_ =	strace $0x80000048  }
0xb4: {  	_ =	swait.ge [sflag:s29], $0x1  }
0xb5: {  	[sflag:s29] =	ssyncadd.s32 $0xFFFFFFFF  }
0xb6: {  	_ =	strace $0x90000048  }
0xb7: {  	_ =	sfence  }
0xb8: {  	s30 =	sld [smem:$0x0];
	_ =	sdelay $0x2  }
0xb9: {  	s31 =	sshll.u32 s1, $0xD;
	s1 =	sshrl.u32 s1, $0x2  }
0xba: {  	s3 =	sand.u32 $0x4000, s31;
	s1 =	sadd.s32 s1, s30  }
0xbb: {  	s0 =	sor.u32 s3, s0;
	s1 =	sshll.u32 s1, $0x11  }
0xbc: {  	s0 =	sor.u32 s1, s0  }
0xbd: {  	s0 =	sadd.s32 $0x8F2B, s0  }
0xbe: {  	[sflag:s0] =	ssyncadd.remote.s32 $0x1  }
0xbf: {  	_ =	sfence.sel $0xFFFF  }
0xc0: {  	[dreg:$0x0] =	wrdreg $0xFFFFFFFF;
	(pc) =	sbr.abs _section_cstart, $3  }
0xc1: {  	[dreg:$0x1] =	wrdreg $0xFFFFFFFF  }
0xc2: {  	_ =	task.clear_ibuf [dreg:s7], $0x2FFFF;
	_ =	strace $0x9FFFFFFF  }
0xc3: {  	(tm) =	ssettm $0x7FFFFFFF  }
tec
execute0_lowered:
.L_overlay_start_1:
0x0: {  	(tag) =	ssettag $0x1  }
0x1: {  	s17 =	stileid.u32  }
0x2: {  	s1 =	srdreg.scid;
	s5 =	smul.u32 $0x30D40, s17  }
0x3: {  	s4 =	sand.u32 $0x1, s1;
	s6 =	sor.u32 $0x10, s17;
	s19 =	smul.u32 $0x3E8, s17  }
0x4: {  	s11 =	sor.u32 $0x20, s17;
	s12 =	sor.u32 $0x30, s17;
	s14 =	sor.u32 $0x40, s17  }
0x5: {  	s15 =	sor.u32 $0x50, s17;
	s16 =	sor.u32 $0x60, s17;
	s17 =	smul.u32 $0xFA0, s17  }
0x6: {  	s10 =	smul.u32 $0x186A0, s4  }
0x7: {  	s13 =	smul.u32 $0xFA0, s6  }
0x8: {  	s0 =	rddreg [dreg:$0x0];
	s20 =	smul.u32 $0x3E8, s6  }
0x9: {  	s3 =	rddreg [dreg:$0x1];
	s21 =	smul.u32 $0x3E8, s11  }
0xa: {  	s2 =	simm.s32 $0x0;
	s28 =	simm.s32 $0x400;
	s22 =	smul.u32 $0x3E8, s12  }
0xb: {  	s29 =	simm.s32 $0x1;
	s30 =	simm.s32 $0x3E8;
	s23 =	smul.u32 $0x3E8, s14  }
0xc: {  	s31 =	simm.s32 $0x2;
	s1 =	rddreg [dreg:$0x2];
	s24 =	smul.u32 $0x3E8, s15  }
0xd: {  	[smem:$0x7FF] =	sst s2;
	s4 =	ssub.s32 $0x2, s4;
	s25 =	smul.u32 $0x3E8, s16  }
0xe: {  	p0 =	sgt.u32 s16, $0x63;
	s8 =	sshrl.u32 s4, $0x1;
	s5 =	sadd.s32 s10, s5  }
0xf: {  	s26 =	sadd.s32 s10, s19;
	s6 =	sadd.s32 s10, s21;
	s18 =	sadd.s32 s10, s23  }
0x10: {  	s13 =	sshrl.u32 s13, $0x2;
	s19 =	sadd.s32 s19, s1;
	s21 =	sadd.s32 s21, s1  }
0x11: {  	s23 =	sadd.s32 s23, s1;
	s5 =	sshrl.u32 s5, $0x3;
	s13 =	sadd.s32 s13, s1  }
0x12: {  	s7 =	sadd.s32 s5, s0;
	s0 =	ssub.s32 s4, s8;
	s4 =	sshrl.u32 s26, $0x3  }
0x13: {  	s5 =	sadd.s32 s10, s20;
	s8 =	sadd.s32 s10, s22;
	s26 =	smul.u32 $0xFA0, s11  }
0x14: {  	s20 =	sadd.s32 s20, s1;
	s22 =	sadd.s32 s22, s1;
	s4 =	sadd.s32 s3, s4  }
0x15: {  	[dreg:$0x4] =	wrdreg s4;
	s4 =	sshrl.u32 s5, $0x3;
	s5 =	sshrl.u32 s6, $0x3  }
0x16: {  	s6 =	sshrl.u32 s8, $0x3;
	s8 =	sshrl.u32 s18, $0x3;
	s18 =	smul.u32 $0xFA0, s14  }
0x17: {  	s11 =	smax.u32 s0, $0x1;
	s14 =	sshrl.u32 s26, $0x2;
	s26 =	smul.u32 $0xFA0, s15  }
0x18: {  	s4 =	sadd.s32 s3, s4;
	s9 =	sadd.s32 s3, s5;
	s6 =	sadd.s32 s3, s6  }
0x19: {  	s8 =	sadd.s32 s3, s8;
	s5 =	smul.u32 $0xFA0, s12;
	[dreg:$0x5] =	wrdreg s4  }
0x1a: {  	s14 =	sadd.s32 s14, s1;
	[dreg:$0x6] =	wrdreg s9;
	s9 =	sadd.s32 s10, s24  }
0x1b: {  	s10 =	sadd.s32 s10, s25;
	s4 =	sshrl.u32 s17, $0x2;
	s24 =	sadd.s32 s24, s1  }
0x1c: {  	s25 =	sadd.s32 s25, s1;
	s9 =	sshrl.u32 s9, $0x3;
	s10 =	sshrl.u32 s10, $0x3  }
0x1d: {  	_ =	strace $0x80000047;
	s12 =	sadd.s32 s4, s1;
	s4 =	sshrl.u32 s5, $0x2  }
0x1e: {  	s5 =	smul.u32 $0xFA0, s16;
	s16 =	sshrl.u32 s18, $0x2;
	s18 =	sshrl.u32 s26, $0x2  }
0x1f: {  	s9 =	sadd.s32 s3, s9;
	s10 =	sadd.s32 s3, s10;
	s15 =	sadd.s32 s4, s1  }
0x20: {  	s16 =	sadd.s32 s16, s1;
	s17 =	sadd.s32 s18, s1;
	s26 =	sshrl.u32 s5, $0x2  }
0x21: {  	v0 =	vimm.f32 $0.0e+00;
	v1 =	vimm.f32 $1.000000000e+00;
	s18 =	sadd.s32 s26, s1;
	s26 =	sadd.s32 $0x63C00, s7;
	s7 =	simm.s32 $0x0  }
.LBB2_1:
0x22: {  	s0 =	simm.s32 $0x40;
	s3 =	simm.s32 $0x0  }
.LBB2_2:
0x23: {  	p1 =	sne.s32 s0, $0xF40;
	[tilespmem:s3+$0x400] =	vst v0;
	s3 =	smov.u32 s0;
	s0 =	sadd.s32 $0x40, s0  }
.Ltmp0:
0x24: {  	(pc) =	sbr.rel @p1 .LBB2_2-.Ltmp0, $2  }
0x25: {  	_ =	sdelay $0x2  }
0x26: {  	s3 =	sshra.s32 s3, $0x2  }
0x27: {  	[tilespmem:s3+$0x400] =	vst v0  }
0x28: {  	[spmem:s12] =	stream.linear.scatter [tilespmem:s28], [sflag:$0x1], $0x3E8, $0x38;
	[tilespmem:$0x2070] =	vst v63  }
0x29: {  	_ =	swait.ge [sflag:s29], $0x3E8  }
0x2a: {  	[sflag:s29] =	ssyncset.done $0x0  }
0x2b: {  	[sflag:s29] =	ssyncadd.s32 $0xFFFFFC18  }
0x2c: {  	[spmem:s13] =	stream.linear.scatter [tilespmem:s28], [sflag:$0x1], $0x3E8, $0x38;
	[tilespmem:$0x2070] =	vst v63  }
0x2d: {  	_ =	swait.ge [sflag:s29], $0x3E8  }
0x2e: {  	[sflag:s29] =	ssyncset.done $0x0  }
0x2f: {  	[sflag:s29] =	ssyncadd.s32 $0xFFFFFC18  }
0x30: {  	[spmem:s14] =	stream.linear.scatter [tilespmem:s28], [sflag:$0x1], $0x3E8, $0x38;
	[tilespmem:$0x2070] =	vst v63  }
0x31: {  	_ =	swait.ge [sflag:s29], $0x3E8  }
0x32: {  	[sflag:s29] =	ssyncset.done $0x0  }
0x33: {  	[sflag:s29] =	ssyncadd.s32 $0xFFFFFC18  }
0x34: {  	[spmem:s15] =	stream.linear.scatter [tilespmem:s28], [sflag:$0x1], $0x3E8, $0x38;
	[tilespmem:$0x2070] =	vst v63  }
0x35: {  	_ =	swait.ge [sflag:s29], $0x3E8  }
0x36: {  	[sflag:s29] =	ssyncset.done $0x0  }
0x37: {  	[sflag:s29] =	ssyncadd.s32 $0xFFFFFC18  }
0x38: {  	[spmem:s16] =	stream.linear.scatter [tilespmem:s28], [sflag:$0x1], $0x3E8, $0x38;
	[tilespmem:$0x2070] =	vst v63  }
0x39: {  	_ =	swait.ge [sflag:s29], $0x3E8  }
0x3a: {  	[sflag:s29] =	ssyncset.done $0x0  }
0x3b: {  	[sflag:s29] =	ssyncadd.s32 $0xFFFFFC18  }
0x3c: {  	[spmem:s17] =	stream.linear.scatter [tilespmem:s28], [sflag:$0x1], $0x3E8, $0x38;
	[tilespmem:$0x2070] =	vst v63  }
0x3d: {  	_ =	swait.ge [sflag:s29], $0x3E8  }
0x3e: {  	[sflag:s29] =	ssyncset.done $0x0  }
0x3f: {  	s0 =	simm.s32 @!p0 $0x400;
	[sflag:s29] =	ssyncadd.s32 $0xFFFFFC18  }
0x40: {  	[spmem:s18] =	stream.linear.scatter @!p0 [tilespmem:s0], [sflag:$0x1], $0x3E8, $0x38;
	[tilespmem:$0x2070] =	vst v63  }
0x41: {  	s0 =	simm.s32 @!p0 $0x1  }
0x42: {  	_ =	swait.ge @!p0 [sflag:s0], $0x3E8  }
0x43: {  	[sflag:s0] =	ssyncset.done @!p0 $0x0  }
0x44: {  	[sflag:s0] =	ssyncadd.s32 @!p0 $0xFFFFFC18  }
0x45: {  	s3 =	simm.s32 $0x0;
	s0 =	simm.s32 $0x40;
	[bflag:$0x0] =	sbarrier.arrive $0xFFFF  }
.LBB2_4:
0x46: {  	p1 =	sne.s32 s0, $0xF40;
	[tilespmem:s3+$0x400] =	vst v1;
	s3 =	smov.u32 s0;
	s0 =	sadd.s32 $0x40, s0  }
.Ltmp1:
0x47: {  	(pc) =	sbr.rel @p1 .LBB2_4-.Ltmp1, $2  }
0x48: {  	_ =	sdelay $0x2  }
0x49: {  	s3 =	sshra.s32 s3, $0x2  }
0x4a: {  	[tilespmem:s3+$0x400] =	vst v1;
	s0 =	sadd.s32 $0x0, s26  }
0x4b: {  	[tilespmem:s2], [sflag:$0x1] =	stream.linear.gather [hbm4b:s0+s2], $0x3E8, $0x38;
	[tilespmem:$0x2070] =	vst v63  }
0x4c: {  	_ =	swait.ge [sflag:s29], $0x3E8  }
0x4d: {  	[sflag:s29] =	ssyncset.done $0x0  }
0x4e: {  	[sflag:s29] =	ssyncadd.s32 $0xFFFFFC18  }
0x4f: {  	[spmem:s1] =	stream.indirect.scatter.add.f32 [tilespmem:s28], [sflag:$0x1], $0x1, s2, s30, $0xb8;
	[tilespmem:$0x2070] =	vst v63  }
0x50: {  	_ =	swait.ge [sflag:s29], $0x3E8  }
0x51: {  	s3 =	simm.s32 $0xFA;
	s0 =	simm.s32 $0x7D;
	[sflag:s29] =	ssyncset.done $0x0  }
.LBB2_6:
0x52: {  	s4 =	sadd.s32 s0, s26  }
0x53: {  	[sflag:s29] =	ssyncadd.s32 $0xFFFFFC18;
	s0 =	smov.u32 s3;
	s5 =	sadd.s32 $0x7D, s3  }
0x54: {  	[tilespmem:s2], [sflag:$0x1] =	stream.linear.gather [hbm4b:s4+s2], $0x3E8, $0x38;
	[tilespmem:$0x2070] =	vst v63  }
0x55: {  	p1 =	sne.s32 s3, $0x3057;
	_ =	swait.ge [sflag:s29], $0x3E8  }
.Ltmp2:
0x56: {  	[sflag:s29] =	ssyncset.done $0x0;
	(pc) =	sbr.rel @p1 .LBB2_6-.Ltmp2, $4  }
0x57: {  	[sflag:s29] =	ssyncadd.s32 $0xFFFFFC18  }
0x58: {  	[spmem:s1] =	stream.indirect.scatter.add.f32 [tilespmem:s28], [sflag:$0x1], $0x1, s2, s30, $0xb8;
	[tilespmem:$0x2070] =	vst v63  }
0x59: {  	_ =	swait.ge [sflag:s29], $0x3E8  }
0x5a: {  	s3 =	smov.u32 s5;
	[sflag:s29] =	ssyncset.done $0x0  }
0x5b: {  	s0 =	sadd.s32 s0, s26;
	[sflag:s29] =	ssyncadd.s32 $0xFFFFFC18  }
0x5c: {  	[tilespmem:s2], [sflag:$0x1] =	stream.linear.gather [hbm4b:s0+s2], $0x3E8, $0x38;
	[tilespmem:$0x2070] =	vst v63  }
0x5d: {  	_ =	swait.ge [sflag:s29], $0x3E8  }
0x5e: {  	[sflag:s29] =	ssyncset.done $0x0  }
0x5f: {  	[sflag:s29] =	ssyncadd.s32 $0xFFFFFC18  }
0x60: {  	[spmem:s1] =	stream.indirect.scatter.add.f32 [tilespmem:s28], [sflag:$0x1], $0x1, s2, s30, $0xb8;
	[tilespmem:$0x2070] =	vst v63  }
0x61: {  	_ =	swait.ge [sflag:s29], $0x3E8  }
0x62: {  	[sflag:s29] =	ssyncset.done $0x0  }
0x63: {  	[sflag:s29] =	ssyncadd.s32 $0xFFFFFC18  }
0x64: {  	[bflag:$0x0] =	sbarrier.arrive $0xFFFF  }
0x65: {  	[tilespmem:s28], [sflag:$0x2] =	stream.linear.gather [spmem:s19], $0x3E8, $0x38;
	[tilespmem:$0x2070] =	vst v63  }
0x66: {  	_ =	swait.ge [sflag:s31], $0x3E8  }
0x67: {  	[sflag:s31] =	ssyncset.done $0x0  }
0x68: {  	s3 =	rddreg [dreg:$0x4];
	[sflag:s31] =	ssyncadd.s32 $0xFFFFFC18  }
0x69: {  	[hbm4b:s3+s2] =	stream.linear.scatter [tilespmem:s28], [sflag:$0x1], $0x3E8, $0x38;
	[tilespmem:$0x2070] =	vst v63  }
0x6a: {  	_ =	swait.ge [sflag:s29], $0x3E8  }
0x6b: {  	[sflag:s29] =	ssyncset.done $0x0  }
0x6c: {  	[sflag:s29] =	ssyncadd.s32 $0xFFFFFC18  }
0x6d: {  	[tilespmem:s28], [sflag:$0x2] =	stream.linear.gather [spmem:s20], $0x3E8, $0x38;
	[tilespmem:$0x2070] =	vst v63  }
0x6e: {  	_ =	swait.ge [sflag:s31], $0x3E8  }
0x6f: {  	[sflag:s31] =	ssyncset.done $0x0  }
0x70: {  	s4 =	rddreg [dreg:$0x5];
	[sflag:s31] =	ssyncadd.s32 $0xFFFFFC18  }
0x71: {  	[hbm4b:s4+s2] =	stream.linear.scatter [tilespmem:s28], [sflag:$0x1], $0x3E8, $0x38;
	[tilespmem:$0x2070] =	vst v63  }
0x72: {  	_ =	swait.ge [sflag:s29], $0x3E8  }
0x73: {  	[sflag:s29] =	ssyncset.done $0x0  }
0x74: {  	[sflag:s29] =	ssyncadd.s32 $0xFFFFFC18  }
0x75: {  	[tilespmem:s28], [sflag:$0x2] =	stream.linear.gather [spmem:s21], $0x3E8, $0x38;
	[tilespmem:$0x2070] =	vst v63  }
0x76: {  	_ =	swait.ge [sflag:s31], $0x3E8  }
0x77: {  	[sflag:s31] =	ssyncset.done $0x0  }
0x78: {  	s5 =	rddreg [dreg:$0x6];
	[sflag:s31] =	ssyncadd.s32 $0xFFFFFC18  }
0x79: {  	[hbm4b:s5+s2] =	stream.linear.scatter [tilespmem:s28], [sflag:$0x1], $0x3E8, $0x38;
	[tilespmem:$0x2070] =	vst v63  }
0x7a: {  	_ =	swait.ge [sflag:s29], $0x3E8  }
0x7b: {  	[sflag:s29] =	ssyncset.done $0x0  }
0x7c: {  	[sflag:s29] =	ssyncadd.s32 $0xFFFFFC18  }
0x7d: {  	[tilespmem:s28], [sflag:$0x2] =	stream.linear.gather [spmem:s22], $0x3E8, $0x38;
	[tilespmem:$0x2070] =	vst v63  }
0x7e: {  	_ =	swait.ge [sflag:s31], $0x3E8  }
0x7f: {  	[sflag:s31] =	ssyncset.done $0x0  }
0x80: {  	[sflag:s31] =	ssyncadd.s32 $0xFFFFFC18  }
0x81: {  	[hbm4b:s6+s2] =	stream.linear.scatter [tilespmem:s28], [sflag:$0x1], $0x3E8, $0x38;
	[tilespmem:$0x2070] =	vst v63  }
0x82: {  	_ =	swait.ge [sflag:s29], $0x3E8  }
0x83: {  	[sflag:s29] =	ssyncset.done $0x0  }
0x84: {  	[sflag:s29] =	ssyncadd.s32 $0xFFFFFC18  }
0x85: {  	[tilespmem:s28], [sflag:$0x2] =	stream.linear.gather [spmem:s23], $0x3E8, $0x38;
	[tilespmem:$0x2070] =	vst v63  }
0x86: {  	_ =	swait.ge [sflag:s31], $0x3E8  }
0x87: {  	[sflag:s31] =	ssyncset.done $0x0  }
0x88: {  	[sflag:s31] =	ssyncadd.s32 $0xFFFFFC18  }
0x89: {  	[hbm4b:s8+s2] =	stream.linear.scatter [tilespmem:s28], [sflag:$0x1], $0x3E8, $0x38;
	[tilespmem:$0x2070] =	vst v63  }
0x8a: {  	_ =	swait.ge [sflag:s29], $0x3E8  }
0x8b: {  	[sflag:s29] =	ssyncset.done $0x0  }
0x8c: {  	[sflag:s29] =	ssyncadd.s32 $0xFFFFFC18  }
0x8d: {  	[tilespmem:s28], [sflag:$0x2] =	stream.linear.gather [spmem:s24], $0x3E8, $0x38;
	[tilespmem:$0x2070] =	vst v63  }
0x8e: {  	_ =	swait.ge [sflag:s31], $0x3E8  }
0x8f: {  	[sflag:s31] =	ssyncset.done $0x0  }
0x90: {  	[sflag:s31] =	ssyncadd.s32 $0xFFFFFC18  }
0x91: {  	[hbm4b:s9+s2] =	stream.linear.scatter [tilespmem:s28], [sflag:$0x1], $0x3E8, $0x38;
	[tilespmem:$0x2070] =	vst v63  }
0x92: {  	_ =	swait.ge [sflag:s29], $0x3E8  }
0x93: {  	[sflag:s29] =	ssyncset.done $0x0  }
0x94: {  	s0 =	simm.s32 @!p0 $0x400;
	s3 =	simm.s32 @!p0 $0x2;
	[sflag:s29] =	ssyncadd.s32 $0xFFFFFC18  }
0x95: {  	[tilespmem:s0], [sflag:$0x2] =	stream.linear.gather @!p0 [spmem:s25], $0x3E8, $0x38;
	[tilespmem:$0x2070] =	vst v63  }
0x96: {  	_ =	swait.ge @!p0 [sflag:s3], $0x3E8  }
0x97: {  	s7 =	sadd.s32 $0x1, s7;
	[sflag:s3] =	ssyncset.done @!p0 $0x0  }
0x98: {  	p1 =	sne.s32 s7, s11;
	[sflag:s3] =	ssyncadd.s32 @!p0 $0xFFFFFC18;
	s3 =	simm.s32 @!p0 $0x0  }
0x99: {  	[hbm4b:s10+s3] =	stream.linear.scatter @!p0 [tilespmem:s0], [sflag:$0x1], $0x3E8, $0x38;
	[tilespmem:$0x2070] =	vst v63  }
.Ltmp3:
0x9a: {  	_ = 	snop;
	(pc) =	sbr.rel @p1 .LBB2_1-.Ltmp3, $4  }
0x9b: {  	s0 =	simm.s32 @!p0 $0x1  }
0x9c: {  	_ =	swait.ge @!p0 [sflag:s0], $0x3E8  }
0x9d: {  	[sflag:s0] =	ssyncset.done @!p0 $0x0  }
0x9e: {  	[sflag:s0] =	ssyncadd.s32 @!p0 $0xFFFFFC18  }
0x9f: {  	_ =	sfence.sel $0x180000  }
0xa0: {  	[bflag:$0x0] =	sbarrier.arrive $0xFFFF  }
0xa1: {  	_ =	strace $0x90000047  }
0xa2: {  	s0 =	stileid.u32;
	[bflag:$0x2] =	sbarrier.arrive $0xFFFF  }
0xa3: {  	p0 =	sne.s32 s0, $0x0;
	s0 =	rddreg [dreg:$0x3]  }
0xa4: {  	s0 =	sadd.s32 @!p0 $0x100000, s0  }
0xa5: {  	[sflag:s0] =	ssyncadd.tile.s32 @!p0 $0x1;
	_ =	shalt  }
.Lfunc_end2:
_tile_overlayer_lowered:
.L_overlay_start_2:
0xa6: {  	(tag) =	ssettag $0x2  }
0xa7: {  	s0 =	rddreg [dreg:$0x0];
	s2 =	stileid.u32  }
0xa8: {  	s1 =	rddreg [dreg:$0x1];
	p0 =	sne.s32 s2, $0x0  }
0xa9: {  	s3 =	rddreg [dreg:$0x2];
	[bflag:$0x3] =	sbarrier.arrive $0xFFFF;
	s2 =	simm.s32 @!p0 $0x1C01  }
0xaa: {  	[timem:s3], [sflag:s2] =	dma.local @!p0 [hbm:s0], s1  }
0xab: {  	s0 =	simm.s32 @!p0 $0x1  }
0xac: {  	_ =	swait.ge @!p0 [sflag:s0], s1  }
0xad: {  	s1 =	ssub.s32 @!p0 $0x0, s1;
	[sflag:s0] =	ssyncset.done @!p0 $0x0  }
0xae: {  	[sflag:s0] =	ssyncadd.s32 @!p0 s1  }
0xaf: {  	[bflag:$0x3] =	sbarrier.arrive $0xFFFF  }
0xb0: {  	_ =	shalt  }

</sc_bundles>
